<compile_context>
chip_gen: v7x
topology: tpu7x:2x2x1
jax: 0.10.2.dev20260603
libtpu: 0.0.44.dev20260713+nightly
codegen_flags: <defaults>
</compile_context>

<pallas_src>
import functools

import jax
import jax.numpy as jnp
from jax import lax
from jax.experimental import pallas as pl
from jax.experimental.pallas import tpu as pltpu
from jax.experimental.pallas import tpu_sc as plsc

N = 10000
P = 8
CIN = 512
HID = 512
COUT = 256
HALF = COUT // 2
E = 160000
C = 125
NCH = E // C
NSC = 2
NT = 16
N_PAD = 10240
STRIPE = N_PAD // NT
NBUF = 2
NPHASE = 2


def _vs_mesh():
    return plsc.VectorSubcoreMesh(core_axis_name="c", subcore_axis_name="s")



def _sc_degree(dst2d, ones2d):
    cpt = NCH // (NSC * NT)

    @functools.partial(
        pl.kernel,
        out_type=jax.ShapeDtypeStruct((NSC * N_PAD, HALF), jnp.float32),
        mesh=_vs_mesh(),
        scratch_types=[
            pltpu.VMEM((cpt, C), jnp.int32),
            pltpu.VMEM((128, HALF), jnp.float32),
            pltpu.VMEM_SHARED((N_PAD, HALF), jnp.float32),
            pltpu.SemaphoreType.DMA,
        ],
    )
    def deg_kernel(dst_hbm, ones_hbm, out_hbm, dst_v, ones_v, acc, sem):
        c = lax.axis_index("c")
        s = lax.axis_index("s")
        wid = c * NT + s
        base_n = s * STRIPE
        pltpu.sync_copy(ones_hbm.at[pl.ds(c * N_PAD + base_n, STRIPE)],
                        acc.at[pl.ds(base_n, STRIPE)])
        pltpu.sync_copy(dst_hbm.at[pl.ds(wid * cpt, cpt)], dst_v)
        pltpu.sync_copy(ones_hbm.at[pl.ds(0, 128)], ones_v)
        plsc.subcore_barrier()
        ones_c = ones_v.at[pl.ds(0, C)]

        def fire(j, carry):
            pltpu.async_copy(ones_c, acc.at[dst_v.at[j]], sem, add=True)
            return carry

        lax.fori_loop(0, cpt, fire, 0)

        def drain(j, carry):
            pltpu.make_async_copy(ones_c, acc.at[dst_v.at[0]], sem).wait()
            return carry

        lax.fori_loop(0, cpt, drain, 0)
        plsc.subcore_barrier()
        pltpu.sync_copy(acc.at[pl.ds(base_n, STRIPE)],
                        out_hbm.at[pl.ds(c * N_PAD + base_n, STRIPE)])

    return deg_kernel(dst2d, ones2d)


def _sc_scatter(z2d, srcoff2d, dst2d):
    cpt = NCH // NT
    cpp = cpt // NPHASE

    @functools.partial(
        pl.kernel,
        out_type=jax.ShapeDtypeStruct((NSC * N_PAD, HALF), jnp.float32),
        mesh=_vs_mesh(),
        scratch_types=[
            pltpu.VMEM((cpp, C), jnp.int32),
            pltpu.VMEM((cpp, C), jnp.int32),
            pltpu.VMEM((C, HALF), jnp.float32),
            pltpu.VMEM((C, HALF), jnp.float32),
            pltpu.VMEM_SHARED((N_PAD, HALF), jnp.float32),
            pltpu.SemaphoreType.DMA((NBUF,)),
            pltpu.SemaphoreType.DMA((NBUF,)),
        ],
    )
    def scat_kernel(z_hbm, src_hbm, dst_hbm, out_hbm,
                    src_v, dst_v, buf0, buf1, acc, gsem, ssem):
        c = lax.axis_index("c")
        s = lax.axis_index("s")
        base_n = s * STRIPE
        bufs = [buf0, buf1]
        pltpu.sync_copy(z_hbm.at[pl.ds(c * N_PAD + base_n, STRIPE)],
                        acc.at[pl.ds(base_n, STRIPE)])
        plsc.subcore_barrier()

        for ph in range(NPHASE):
            pltpu.sync_copy(
                src_hbm.at[pl.ds(c * NCH + s * cpt + ph * cpp, cpp)], src_v)
            pltpu.sync_copy(
                dst_hbm.at[pl.ds(s * cpt + ph * cpp, cpp)], dst_v)

            for b in range(NBUF):
                pltpu.async_copy(z_hbm.at[src_v.at[b]], bufs[b], gsem.at[b])

            def round_body(g, carry):
                for b in range(NBUF):
                    j = g * NBUF + b
                    pltpu.make_async_copy(z_hbm.at[src_v.at[j]], bufs[b],
                                          gsem.at[b]).wait()
                    pltpu.async_copy(bufs[b], acc.at[dst_v.at[j]],
                                     ssem.at[b], add=True)
                for b in range(NBUF):
                    j = g * NBUF + b
                    jn = j + NBUF
                    pltpu.make_async_copy(bufs[b], acc.at[dst_v.at[j]],
                                          ssem.at[b]).wait()

                    @pl.when(jn < cpp)
                    def _():
                        pltpu.async_copy(z_hbm.at[src_v.at[jn]], bufs[b],
                                         gsem.at[b])
                return carry

            lax.fori_loop(0, cpp // NBUF, round_body, 0)
        plsc.subcore_barrier()
        pltpu.sync_copy(acc.at[pl.ds(base_n, STRIPE)],
                        out_hbm.at[pl.ds(c * N_PAD + base_n, STRIPE)])

    return scat_kernel(z2d, srcoff2d, dst2d)



EMB_NB = 400
GC_NB = 1024


DEGW = 8


def _dinv_col(degp_ref):
    deg = degp_ref[0, :, 0:1] + degp_ref[1, :, 0:1] - 1.0
    return lax.rsqrt(jnp.maximum(deg, 1.0))


def _embed_body(x_ref, w1_ref, b1_ref, w2_ref, b2_ref, w3_ref, b3_ref, o_ref):
    xb = x_ref[...].reshape(EMB_NB * P, CIN)
    t = jnp.dot(xb, w1_ref[...], preferred_element_type=jnp.float32)
    t = jnp.maximum(t + b1_ref[...], 0.0)
    sp = jnp.sum(t.reshape(EMB_NB, P, HID), axis=1)
    u = jnp.dot(sp, w2_ref[...], preferred_element_type=jnp.float32)
    u = u + float(P) * b2_ref[...]
    v = jnp.dot(u, w3_ref[...], preferred_element_type=jnp.float32)
    o_ref[...] = jnp.maximum(v + b3_ref[...], 0.0)


def _embed(x, W1, b1, W2, b2, W3, b3):
    grid = N // EMB_NB
    return pl.pallas_call(
        _embed_body,
        grid=(grid,),
        in_specs=[
            pl.BlockSpec((EMB_NB, P, CIN), lambda i: (i, 0, 0)),
            pl.BlockSpec((CIN, HID), lambda i: (0, 0)),
            pl.BlockSpec((1, HID), lambda i: (0, 0)),
            pl.BlockSpec((HID, COUT), lambda i: (0, 0)),
            pl.BlockSpec((1, COUT), lambda i: (0, 0)),
            pl.BlockSpec((COUT, COUT), lambda i: (0, 0)),
            pl.BlockSpec((1, COUT), lambda i: (0, 0)),
        ],
        out_specs=pl.BlockSpec((EMB_NB, COUT), lambda i: (i, 0)),
        out_shape=jax.ShapeDtypeStruct((N, COUT), jnp.float32),
    )(x, W1, b1[None], W2, b2[None], W3, b3[None])


def _pre_body(h_ref, w_ref, degp_ref, o_ref):
    dinv = _dinv_col(degp_ref)
    xw = jnp.dot(h_ref[...], w_ref[...], preferred_element_type=jnp.float32)
    z = xw * dinv
    o_ref[0] = z[:, :HALF]
    o_ref[1] = z[:, HALF:]


def _pre(h_pad, Wc1, degp):
    grid = N_PAD // GC_NB
    return pl.pallas_call(
        _pre_body,
        grid=(grid,),
        in_specs=[
            pl.BlockSpec((GC_NB, COUT), lambda i: (i, 0)),
            pl.BlockSpec((COUT, COUT), lambda i: (0, 0)),
            pl.BlockSpec((NSC, GC_NB, DEGW), lambda i: (0, i, 0)),
        ],
        out_specs=pl.BlockSpec((NSC, GC_NB, HALF), lambda i: (0, i, 0)),
        out_shape=jax.ShapeDtypeStruct((NSC, N_PAD, HALF), jnp.float32),
    )(h_pad, Wc1, degp)


def _mid_body(acc_ref, degp_ref, w_ref, b_ref, o_ref):
    dinv = _dinv_col(degp_ref)
    a = jnp.concatenate([acc_ref[0], acc_ref[1]], axis=1)
    y = jnp.maximum(a * dinv + b_ref[...], 0.0)
    xw = jnp.dot(y, w_ref[...], preferred_element_type=jnp.float32)
    z = xw * dinv
    o_ref[0] = z[:, :HALF]
    o_ref[1] = z[:, HALF:]


def _mid(acc1, degp, Wc2, bc1):
    grid = N_PAD // GC_NB
    return pl.pallas_call(
        _mid_body,
        grid=(grid,),
        in_specs=[
            pl.BlockSpec((NSC, GC_NB, HALF), lambda i: (0, i, 0)),
            pl.BlockSpec((NSC, GC_NB, DEGW), lambda i: (0, i, 0)),
            pl.BlockSpec((COUT, COUT), lambda i: (0, 0)),
            pl.BlockSpec((1, COUT), lambda i: (0, 0)),
        ],
        out_specs=pl.BlockSpec((NSC, GC_NB, HALF), lambda i: (0, i, 0)),
        out_shape=jax.ShapeDtypeStruct((NSC, N_PAD, HALF), jnp.float32),
    )(acc1, degp, Wc2, bc1[None])


def _fin_body(acc_ref, degp_ref, b_ref, h_ref, o_ref):
    dinv = _dinv_col(degp_ref)
    y = jnp.concatenate([acc_ref[0], acc_ref[1]], axis=1) * dinv + b_ref[...]
    hh = h_ref[...]
    o_ref[...] = jnp.maximum(hh + y, 0.0) + hh


def _fin(acc2, degp, bc2, h_pad):
    grid = N_PAD // GC_NB
    return pl.pallas_call(
        _fin_body,
        grid=(grid,),
        in_specs=[
            pl.BlockSpec((NSC, GC_NB, HALF), lambda i: (0, i, 0)),
            pl.BlockSpec((NSC, GC_NB, DEGW), lambda i: (0, i, 0)),
            pl.BlockSpec((1, COUT), lambda i: (0, 0)),
            pl.BlockSpec((GC_NB, COUT), lambda i: (i, 0)),
        ],
        out_specs=pl.BlockSpec((GC_NB, COUT), lambda i: (i, 0)),
        out_shape=jax.ShapeDtypeStruct((N_PAD, COUT), jnp.float32),
    )(acc2, degp, bc2[None], h_pad)



def kernel(x, edge_index, W1, b1, W2, b2, W3, b3, Wc1, bc1, Wc2, bc2):
    src = edge_index[0]
    dst = edge_index[1]
    dst2d = dst.reshape(NCH, C)
    srcoff2d = jnp.concatenate([src, src + N_PAD]).reshape(2 * NCH, C)
    ones2d = jnp.pad(jnp.ones((NSC, N, HALF), jnp.float32),
                     ((0, 0), (0, N_PAD - N), (0, 0))).reshape(NSC * N_PAD, HALF)

    degp = _sc_degree(dst2d, ones2d).reshape(NSC, N_PAD, HALF)[:, :, :DEGW]
    h = _embed(x, W1, b1, W2, b2, W3, b3)
    h_pad = jnp.pad(h, ((0, N_PAD - N), (0, 0)))
    z1 = _pre(h_pad, Wc1, degp)
    acc1 = _sc_scatter(z1.reshape(NSC * N_PAD, HALF), srcoff2d, dst2d)
    z2 = _mid(acc1.reshape(NSC, N_PAD, HALF), degp, Wc2, bc1)
    acc2 = _sc_scatter(z2.reshape(NSC * N_PAD, HALF), srcoff2d, dst2d)
    out = _fin(acc2.reshape(NSC, N_PAD, HALF), degp, bc2, h_pad)
    return out[:N]

# --- scband reference (transcript-rebuilt; emitter-appended) ---
"""Pipeline reference for scband-gcn-24318104830551 (READ-ONLY COPY).

The authoritative reference and input builder live on the scoring server;
editing this copy changes nothing except your own understanding.
"""

import jax, jax.numpy as jnp
import numpy as np


def _gcn_conv(x, edge_index, W, b):
    # torch_geometric GCNConv: add self-loops, symmetric normalization, x @ W, scatter-add, + bias
    N = x.shape[0]
    src = edge_index[0]
    dst = edge_index[1]
    loop = jnp.arange(N, dtype=src.dtype)
    src = jnp.concatenate([src, loop])
    dst = jnp.concatenate([dst, loop])
    deg = jnp.zeros((N,), x.dtype).at[dst].add(jnp.ones_like(dst, x.dtype))
    dinv = jax.lax.rsqrt(jnp.maximum(deg, 1.0))
    norm = dinv[src] * dinv[dst]
    xw = x @ W
    msg = jnp.take(xw, src, axis=0) * norm[:, None]
    out = jnp.zeros((N, W.shape[1]), x.dtype).at[dst].add(msg)
    return out + b


def setup_inputs(seed: int = 0) -> dict:
    key = jax.random.key(seed)
    ks = jax.random.split(key, 12)
    N, P, Cin, H, Cout, E = 10000, 8, 512, 512, 256, 160000
    x = jax.random.normal(ks[0], (N, P, Cin), dtype=jnp.float32)
    edge_index = jax.random.randint(ks[1], (2, E), 0, N, dtype=jnp.int32)
    W1 = jax.random.normal(ks[2], (Cin, H), dtype=jnp.float32) * 0.02
    b1 = jnp.zeros((H,), jnp.float32)
    W2 = jax.random.normal(ks[3], (H, Cout), dtype=jnp.float32) * 0.02
    b2 = jnp.zeros((Cout,), jnp.float32)
    W3 = jax.random.normal(ks[4], (Cout, Cout), dtype=jnp.float32) * 0.02
    b3 = jnp.zeros((Cout,), jnp.float32)
    Wc1 = jax.random.normal(ks[5], (Cout, Cout), dtype=jnp.float32) * 0.05
    bc1 = jnp.zeros((Cout,), jnp.float32)
    Wc2 = jax.random.normal(ks[6], (Cout, Cout), dtype=jnp.float32) * 0.05
    bc2 = jnp.zeros((Cout,), jnp.float32)
    return {"x": x, "edge_index": edge_index, "W1": W1, "b1": b1, "W2": W2,
            "b2": b2, "W3": W3, "b3": b3, "Wc1": Wc1, "bc1": bc1,
            "Wc2": Wc2, "bc2": bc2}


def reference(x, edge_index, W1, b1, W2, b2, W3, b3, Wc1, bc1, Wc2, bc2):
    # Embedder
    h = jax.nn.relu(x @ W1 + b1)
    h = h @ W2 + b2
    h = h.sum(axis=-2)
    h = h @ W3 + b3
    # GCN forward
    h = jax.nn.relu(h)
    inp = h
    y = jax.nn.relu(_gcn_conv(h, edge_index, Wc1, bc1))
    y = _gcn_conv(y, edge_index, Wc2, bc2)
    h = jax.nn.relu(h + y)
    return h + inp

if __name__ == "__main__":
    import jax
    _d = setup_inputs()
    print(jax.jit(kernel)(*tuple(_d.values())))

</pallas_src>

<mosaic_0001>
#map = affine_map<(d0, d1) -> (0, 0)>
module attributes {stable_mosaic.version = 14 : i64} {
  func.func @deg_kernel(%arg0: i32, %arg1: i32, %arg2: memref<1280x125xi32, #tpu.memory_space<hbm>>, %arg3: memref<20480x128xf32, #tpu.memory_space<hbm>>, %arg4: memref<20480x128xf32, #tpu.memory_space<hbm>>, %arg5: memref<40x125xi32, #tpu.memory_space<vmem>>, %arg6: memref<128x128xf32, #tpu.memory_space<vmem>>, %arg7: memref<10240x128xf32, #tpu.memory_space<vmem_shared>>, %arg8: memref<!tpu.dma_semaphore, #tpu.memory_space<semaphore_mem>>) attributes {dimension_semantics = [#tpu.dimension_semantics<core_parallel>, #tpu.dimension_semantics<subcore_parallel>], iteration_bounds = array<i64: 2, 16>, scalar_prefetch = 0 : i64, scratch_operands = 4 : i64, tpu.core_type = #tpu.core_type<sc_vector_subcore>, window_params = [{transform_indices = #map}, {transform_indices = #map}, {transform_indices = #map}]} {
    %mul3A = arith.constant 16 : i32
    %mul3A_0 = arith.muli %arg0, %mul3A : i32
    %add3A = arith.addi %mul3A_0, %arg1 : i32
    %mul3A_1 = arith.constant 640 : i32
    %mul3A_2 = arith.muli %arg1, %mul3A_1 : i32
    %mul3A_3 = arith.constant 10240 : i32
    %mul3A_4 = arith.muli %arg0, %mul3A_3 : i32
    %add3A_5 = arith.addi %mul3A_4, %mul3A_2 : i32
    "tpu.region"() ({
      %run_scoped3A = tpu.sem_alloc : memref<!tpu.dma_semaphore, #tpu.memory_space<semaphore_mem>>
      %dma_start3A = arith.constant 0 : i32
      %dma_start3A_23 = tpu.memref_slice %arg7[%mul3A_2, %dma_start3A] : memref<10240x128xf32, #tpu.memory_space<vmem_shared>> -> memref<640x128xf32, #tpu.memory_space<vmem_shared>>
      %dma_start3A_24 = arith.constant 0 : i32
      %dma_start3A_25 = tpu.memref_slice %arg3[%add3A_5, %dma_start3A_24] : memref<20480x128xf32, #tpu.memory_space<hbm>> -> memref<640x128xf32, #tpu.memory_space<hbm>>
      tpu.enqueue_dma source(%dma_start3A_25 : memref<640x128xf32, #tpu.memory_space<hbm>>) target(%dma_start3A_23 : memref<640x128xf32, #tpu.memory_space<vmem_shared>>) target_semaphore(%run_scoped3A : memref<!tpu.dma_semaphore, #tpu.memory_space<semaphore_mem>>)
      %dma_wait3A = arith.constant 0 : i32
      %dma_wait3A_26 = tpu.memref_slice %arg7[%mul3A_2, %dma_wait3A] : memref<10240x128xf32, #tpu.memory_space<vmem_shared>> -> memref<640x128xf32, #tpu.memory_space<vmem_shared>>
      %dma_wait3A_27 = arith.constant 0 : i32
      %dma_wait3A_28 = tpu.memref_slice %arg3[%add3A_5, %dma_wait3A_27] : memref<20480x128xf32, #tpu.memory_space<hbm>> -> memref<640x128xf32, #tpu.memory_space<hbm>>
      tpu.wait_dma2 semaphore(%run_scoped3A : memref<!tpu.dma_semaphore, #tpu.memory_space<semaphore_mem>>) src(%dma_wait3A_28 : memref<640x128xf32, #tpu.memory_space<hbm>>) dst(%dma_wait3A_26 : memref<640x128xf32, #tpu.memory_space<vmem_shared>>)
      tpu.yield
    }) : () -> ()
    %mul3A_6 = arith.constant 40 : i32
    %mul3A_7 = arith.muli %add3A, %mul3A_6 : i32
    "tpu.region"() ({
      %run_scoped3A = tpu.sem_alloc : memref<!tpu.dma_semaphore, #tpu.memory_space<semaphore_mem>>
      %dma_start3A = arith.constant 0 : i32
      %dma_start3A_23 = tpu.memref_slice %arg2[%mul3A_7, %dma_start3A] : memref<1280x125xi32, #tpu.memory_space<hbm>> -> memref<40x125xi32, #tpu.memory_space<hbm>>
      %dma_start3A_24 = arith.constant 0 : i32
      %dma_start3A_25 = tpu.memref_slice %arg2[%mul3A_7, %dma_start3A_24] : memref<1280x125xi32, #tpu.memory_space<hbm>> -> memref<40x125xi32, #tpu.memory_space<hbm>>
      tpu.enqueue_dma source(%dma_start3A_25 : memref<40x125xi32, #tpu.memory_space<hbm>>) target(%arg5 : memref<40x125xi32, #tpu.memory_space<vmem>>) target_semaphore(%run_scoped3A : memref<!tpu.dma_semaphore, #tpu.memory_space<semaphore_mem>>)
      %dma_wait3A = arith.constant 0 : i32
      %dma_wait3A_26 = tpu.memref_slice %arg2[%mul3A_7, %dma_wait3A] : memref<1280x125xi32, #tpu.memory_space<hbm>> -> memref<40x125xi32, #tpu.memory_space<hbm>>
      %dma_wait3A_27 = arith.constant 0 : i32
      %dma_wait3A_28 = tpu.memref_slice %arg2[%mul3A_7, %dma_wait3A_27] : memref<1280x125xi32, #tpu.memory_space<hbm>> -> memref<40x125xi32, #tpu.memory_space<hbm>>
      tpu.wait_dma2 semaphore(%run_scoped3A : memref<!tpu.dma_semaphore, #tpu.memory_space<semaphore_mem>>) src(%dma_wait3A_28 : memref<40x125xi32, #tpu.memory_space<hbm>>) dst(%arg5 : memref<40x125xi32, #tpu.memory_space<vmem>>)
      tpu.yield
    }) : () -> ()
    "tpu.region"() ({
      %run_scoped3A = tpu.sem_alloc : memref<!tpu.dma_semaphore, #tpu.memory_space<semaphore_mem>>
      %dma_start3A = arith.constant 0 : i32
      %dma_start3A_23 = arith.constant 0 : i32
      %dma_start3A_24 = tpu.memref_slice %arg3[%dma_start3A, %dma_start3A_23] : memref<20480x128xf32, #tpu.memory_space<hbm>> -> memref<128x128xf32, #tpu.memory_space<hbm>>
      %dma_start3A_25 = arith.constant 0 : i32
      %dma_start3A_26 = arith.constant 0 : i32
      %dma_start3A_27 = tpu.memref_slice %arg3[%dma_start3A_25, %dma_start3A_26] : memref<20480x128xf32, #tpu.memory_space<hbm>> -> memref<128x128xf32, #tpu.memory_space<hbm>>
      tpu.enqueue_dma source(%dma_start3A_27 : memref<128x128xf32, #tpu.memory_space<hbm>>) target(%arg6 : memref<128x128xf32, #tpu.memory_space<vmem>>) target_semaphore(%run_scoped3A : memref<!tpu.dma_semaphore, #tpu.memory_space<semaphore_mem>>)
      %dma_wait3A = arith.constant 0 : i32
      %dma_wait3A_28 = arith.constant 0 : i32
      %dma_wait3A_29 = tpu.memref_slice %arg3[%dma_wait3A, %dma_wait3A_28] : memref<20480x128xf32, #tpu.memory_space<hbm>> -> memref<128x128xf32, #tpu.memory_space<hbm>>
      %dma_wait3A_30 = arith.constant 0 : i32
      %dma_wait3A_31 = arith.constant 0 : i32
      %dma_wait3A_32 = tpu.memref_slice %arg3[%dma_wait3A_30, %dma_wait3A_31] : memref<20480x128xf32, #tpu.memory_space<hbm>> -> memref<128x128xf32, #tpu.memory_space<hbm>>
      tpu.wait_dma2 semaphore(%run_scoped3A : memref<!tpu.dma_semaphore, #tpu.memory_space<semaphore_mem>>) src(%dma_wait3A_32 : memref<128x128xf32, #tpu.memory_space<hbm>>) dst(%arg6 : memref<128x128xf32, #tpu.memory_space<vmem>>)
      tpu.yield
    }) : () -> ()
    %barrier3A = arith.constant 0 : index
    tpu.barrier barrier_id(%barrier3A)
    %scan3A = arith.constant 0 : i32
    %scan3A_8 = arith.constant 0 : i32
    %scan3A_9 = arith.constant 40 : i32
    %scan3A_10 = arith.addi %scan3A_8, %scan3A_9 : i32
    %scan3A_11 = arith.constant 1 : i32
    scf.for %scan3A_23 = %scan3A_8 to %scan3A_10 step %scan3A_11  : i32 {
      %dma_start3A = arith.constant 0 : i32
      %dma_start3A_24 = arith.constant 0 : i32
      %dma_start3A_25 = tpu.memref_slice %arg6[%dma_start3A, %dma_start3A_24] : memref<128x128xf32, #tpu.memory_space<vmem>> -> memref<125x128xf32, #tpu.memory_space<vmem>>
      %dma_start3A_26 = arith.constant 0 : i32
      %dma_start3A_27 = tpu.memref_slice %arg5[%scan3A_23, %dma_start3A_26] : memref<40x125xi32, #tpu.memory_space<vmem>> -> memref<1x125xi32, #tpu.memory_space<vmem>>
      %dma_start3A_28 = tpu.memref_squeeze %dma_start3A_27 : memref<1x125xi32, #tpu.memory_space<vmem>> -> memref<125xi32, #tpu.memory_space<vmem>>
      %dma_start3A_29 = arith.constant 0 : i32
      %dma_start3A_30 = arith.constant 0 : i32
      %dma_start3A_31 = tpu.memref_slice %arg7[%dma_start3A_29, %dma_start3A_30] : memref<10240x128xf32, #tpu.memory_space<vmem_shared>> -> memref<10240x128xf32, #tpu.memory_space<vmem_shared>>
      tpu.enqueue_indirect_dma source(%dma_start3A_25 : memref<125x128xf32, #tpu.memory_space<vmem>>) target(%dma_start3A_31 : memref<10240x128xf32, #tpu.memory_space<vmem_shared>>) offsets(%dma_start3A_28 : memref<125xi32, #tpu.memory_space<vmem>>) semaphore(%arg8 : memref<!tpu.dma_semaphore, #tpu.memory_space<semaphore_mem>>) {add = true}
    }
    %scan3A_12 = arith.constant 40 : i32
    %scan3A_13 = arith.constant 0 : i32
    %scan3A_14 = arith.constant 0 : i32
    %scan3A_15 = arith.constant 40 : i32
    %scan3A_16 = arith.addi %scan3A_14, %scan3A_15 : i32
    %scan3A_17 = arith.constant 1 : i32
    scf.for %scan3A_23 = %scan3A_14 to %scan3A_16 step %scan3A_17  : i32 {
      %dma_wait3A = arith.constant 0 : i32
      %dma_wait3A_24 = arith.constant 0 : i32
      %dma_wait3A_25 = arith.constant 0 : i32
      %dma_wait3A_26 = tpu.memref_slice %arg6[%dma_wait3A_24, %dma_wait3A_25] : memref<128x128xf32, #tpu.memory_space<vmem>> -> memref<125x128xf32, #tpu.memory_space<vmem>>
      %dma_wait3A_27 = arith.constant 0 : i32
      %dma_wait3A_28 = tpu.memref_slice %arg5[%dma_wait3A, %dma_wait3A_27] : memref<40x125xi32, #tpu.memory_space<vmem>> -> memref<1x125xi32, #tpu.memory_space<vmem>>
      %dma_wait3A_29 = tpu.memref_squeeze %dma_wait3A_28 : memref<1x125xi32, #tpu.memory_space<vmem>> -> memref<125xi32, #tpu.memory_space<vmem>>
      %dma_wait3A_30 = arith.constant 0 : i32
      %dma_wait3A_31 = arith.constant 0 : i32
      %dma_wait3A_32 = tpu.memref_slice %arg7[%dma_wait3A_30, %dma_wait3A_31] : memref<10240x128xf32, #tpu.memory_space<vmem_shared>> -> memref<10240x128xf32, #tpu.memory_space<vmem_shared>>
      tpu.wait_indirect_dma semaphore(%arg8 : memref<!tpu.dma_semaphore, #tpu.memory_space<semaphore_mem>>) src(%dma_wait3A_26 : memref<125x128xf32, #tpu.memory_space<vmem>>) dst(%dma_wait3A_32 : memref<10240x128xf32, #tpu.memory_space<vmem_shared>>)
    }
    %scan3A_18 = arith.constant 40 : i32
    %barrier3A_19 = arith.constant 0 : index
    tpu.barrier barrier_id(%barrier3A_19)
    %mul3A_20 = arith.constant 10240 : i32
    %mul3A_21 = arith.muli %arg0, %mul3A_20 : i32
    %add3A_22 = arith.addi %mul3A_21, %mul3A_2 : i32
    "tpu.region"() ({
      %run_scoped3A = tpu.sem_alloc : memref<!tpu.dma_semaphore, #tpu.memory_space<semaphore_mem>>
      %dma_start3A = arith.constant 0 : i32
      %dma_start3A_23 = tpu.memref_slice %arg4[%add3A_22, %dma_start3A] : memref<20480x128xf32, #tpu.memory_space<hbm>> -> memref<640x128xf32, #tpu.memory_space<hbm>>
      %dma_start3A_24 = arith.constant 0 : i32
      %dma_start3A_25 = tpu.memref_slice %arg7[%mul3A_2, %dma_start3A_24] : memref<10240x128xf32, #tpu.memory_space<vmem_shared>> -> memref<640x128xf32, #tpu.memory_space<vmem_shared>>
      tpu.enqueue_dma source(%dma_start3A_25 : memref<640x128xf32, #tpu.memory_space<vmem_shared>>) target(%dma_start3A_23 : memref<640x128xf32, #tpu.memory_space<hbm>>) target_semaphore(%run_scoped3A : memref<!tpu.dma_semaphore, #tpu.memory_space<semaphore_mem>>)
      %dma_wait3A = arith.constant 0 : i32
      %dma_wait3A_26 = tpu.memref_slice %arg4[%add3A_22, %dma_wait3A] : memref<20480x128xf32, #tpu.memory_space<hbm>> -> memref<640x128xf32, #tpu.memory_space<hbm>>
      %dma_wait3A_27 = arith.constant 0 : i32
      %dma_wait3A_28 = tpu.memref_slice %arg7[%mul3A_2, %dma_wait3A_27] : memref<10240x128xf32, #tpu.memory_space<vmem_shared>> -> memref<640x128xf32, #tpu.memory_space<vmem_shared>>
      tpu.wait_dma2 semaphore(%run_scoped3A : memref<!tpu.dma_semaphore, #tpu.memory_space<semaphore_mem>>) src(%dma_wait3A_28 : memref<640x128xf32, #tpu.memory_space<vmem_shared>>) dst(%dma_wait3A_26 : memref<640x128xf32, #tpu.memory_space<hbm>>)
      tpu.yield
    }) : () -> ()
    return
  }
}

#map = affine_map<(d0, d1) -> (0, 0)>
module attributes {stable_mosaic.version = 14 : i64} {
  func.func @scat_kernel(%arg0: i32, %arg1: i32, %arg2: memref<20480x128xf32, #tpu.memory_space<hbm>>, %arg3: memref<2560x125xi32, #tpu.memory_space<hbm>>, %arg4: memref<1280x125xi32, #tpu.memory_space<hbm>>, %arg5: memref<20480x128xf32, #tpu.memory_space<hbm>>, %arg6: memref<40x125xi32, #tpu.memory_space<vmem>>, %arg7: memref<40x125xi32, #tpu.memory_space<vmem>>, %arg8: memref<125x128xf32, #tpu.memory_space<vmem>>, %arg9: memref<125x128xf32, #tpu.memory_space<vmem>>, %arg10: memref<10240x128xf32, #tpu.memory_space<vmem_shared>>, %arg11: memref<2x!tpu.dma_semaphore, #tpu.memory_space<semaphore_mem>>, %arg12: memref<2x!tpu.dma_semaphore, #tpu.memory_space<semaphore_mem>>) attributes {dimension_semantics = [#tpu.dimension_semantics<core_parallel>, #tpu.dimension_semantics<subcore_parallel>], iteration_bounds = array<i64: 2, 16>, scalar_prefetch = 0 : i64, scratch_operands = 7 : i64, tpu.core_type = #tpu.core_type<sc_vector_subcore>, window_params = [{transform_indices = #map}, {transform_indices = #map}, {transform_indices = #map}, {transform_indices = #map}]} {
    %mul3A = arith.constant 640 : i32
    %mul3A_0 = arith.muli %arg1, %mul3A : i32
    %mul3A_1 = arith.constant 10240 : i32
    %mul3A_2 = arith.muli %arg0, %mul3A_1 : i32
    %add3A = arith.addi %mul3A_2, %mul3A_0 : i32
    "tpu.region"() ({
      %run_scoped3A = tpu.sem_alloc : memref<!tpu.dma_semaphore, #tpu.memory_space<semaphore_mem>>
      %dma_start3A_79 = arith.constant 0 : i32
      %dma_start3A_80 = tpu.memref_slice %arg10[%mul3A_0, %dma_start3A_79] : memref<10240x128xf32, #tpu.memory_space<vmem_shared>> -> memref<640x128xf32, #tpu.memory_space<vmem_shared>>
      %dma_start3A_81 = arith.constant 0 : i32
      %dma_start3A_82 = tpu.memref_slice %arg2[%add3A, %dma_start3A_81] : memref<20480x128xf32, #tpu.memory_space<hbm>> -> memref<640x128xf32, #tpu.memory_space<hbm>>
      tpu.enqueue_dma source(%dma_start3A_82 : memref<640x128xf32, #tpu.memory_space<hbm>>) target(%dma_start3A_80 : memref<640x128xf32, #tpu.memory_space<vmem_shared>>) target_semaphore(%run_scoped3A : memref<!tpu.dma_semaphore, #tpu.memory_space<semaphore_mem>>)
      %dma_wait3A = arith.constant 0 : i32
      %dma_wait3A_83 = tpu.memref_slice %arg10[%mul3A_0, %dma_wait3A] : memref<10240x128xf32, #tpu.memory_space<vmem_shared>> -> memref<640x128xf32, #tpu.memory_space<vmem_shared>>
      %dma_wait3A_84 = arith.constant 0 : i32
      %dma_wait3A_85 = tpu.memref_slice %arg2[%add3A, %dma_wait3A_84] : memref<20480x128xf32, #tpu.memory_space<hbm>> -> memref<640x128xf32, #tpu.memory_space<hbm>>
      tpu.wait_dma2 semaphore(%run_scoped3A : memref<!tpu.dma_semaphore, #tpu.memory_space<semaphore_mem>>) src(%dma_wait3A_85 : memref<640x128xf32, #tpu.memory_space<hbm>>) dst(%dma_wait3A_83 : memref<640x128xf32, #tpu.memory_space<vmem_shared>>)
      tpu.yield
    }) : () -> ()
    %barrier3A = arith.constant 0 : index
    tpu.barrier barrier_id(%barrier3A)
    %mul3A_3 = arith.constant 1280 : i32
    %mul3A_4 = arith.muli %arg0, %mul3A_3 : i32
    %mul3A_5 = arith.constant 80 : i32
    %mul3A_6 = arith.muli %arg1, %mul3A_5 : i32
    %add3A_7 = arith.addi %mul3A_4, %mul3A_6 : i32
    %add3A_8 = arith.constant 0 : i32
    %add3A_9 = arith.addi %add3A_7, %add3A_8 : i32
    "tpu.region"() ({
      %run_scoped3A = tpu.sem_alloc : memref<!tpu.dma_semaphore, #tpu.memory_space<semaphore_mem>>
      %dma_start3A_79 = arith.constant 0 : i32
      %dma_start3A_80 = tpu.memref_slice %arg3[%add3A_9, %dma_start3A_79] : memref<2560x125xi32, #tpu.memory_space<hbm>> -> memref<40x125xi32, #tpu.memory_space<hbm>>
      %dma_start3A_81 = arith.constant 0 : i32
      %dma_start3A_82 = tpu.memref_slice %arg3[%add3A_9, %dma_start3A_81] : memref<2560x125xi32, #tpu.memory_space<hbm>> -> memref<40x125xi32, #tpu.memory_space<hbm>>
      tpu.enqueue_dma source(%dma_start3A_82 : memref<40x125xi32, #tpu.memory_space<hbm>>) target(%arg6 : memref<40x125xi32, #tpu.memory_space<vmem>>) target_semaphore(%run_scoped3A : memref<!tpu.dma_semaphore, #tpu.memory_space<semaphore_mem>>)
      %dma_wait3A = arith.constant 0 : i32
      %dma_wait3A_83 = tpu.memref_slice %arg3[%add3A_9, %dma_wait3A] : memref<2560x125xi32, #tpu.memory_space<hbm>> -> memref<40x125xi32, #tpu.memory_space<hbm>>
      %dma_wait3A_84 = arith.constant 0 : i32
      %dma_wait3A_85 = tpu.memref_slice %arg3[%add3A_9, %dma_wait3A_84] : memref<2560x125xi32, #tpu.memory_space<hbm>> -> memref<40x125xi32, #tpu.memory_space<hbm>>
      tpu.wait_dma2 semaphore(%run_scoped3A : memref<!tpu.dma_semaphore, #tpu.memory_space<semaphore_mem>>) src(%dma_wait3A_85 : memref<40x125xi32, #tpu.memory_space<hbm>>) dst(%arg6 : memref<40x125xi32, #tpu.memory_space<vmem>>)
      tpu.yield
    }) : () -> ()
    %mul3A_10 = arith.constant 80 : i32
    %mul3A_11 = arith.muli %arg1, %mul3A_10 : i32
    %add3A_12 = arith.constant 0 : i32
    %add3A_13 = arith.addi %mul3A_11, %add3A_12 : i32
    "tpu.region"() ({
      %run_scoped3A = tpu.sem_alloc : memref<!tpu.dma_semaphore, #tpu.memory_space<semaphore_mem>>
      %dma_start3A_79 = arith.constant 0 : i32
      %dma_start3A_80 = tpu.memref_slice %arg4[%add3A_13, %dma_start3A_79] : memref<1280x125xi32, #tpu.memory_space<hbm>> -> memref<40x125xi32, #tpu.memory_space<hbm>>
      %dma_start3A_81 = arith.constant 0 : i32
      %dma_start3A_82 = tpu.memref_slice %arg4[%add3A_13, %dma_start3A_81] : memref<1280x125xi32, #tpu.memory_space<hbm>> -> memref<40x125xi32, #tpu.memory_space<hbm>>
      tpu.enqueue_dma source(%dma_start3A_82 : memref<40x125xi32, #tpu.memory_space<hbm>>) target(%arg7 : memref<40x125xi32, #tpu.memory_space<vmem>>) target_semaphore(%run_scoped3A : memref<!tpu.dma_semaphore, #tpu.memory_space<semaphore_mem>>)
      %dma_wait3A = arith.constant 0 : i32
      %dma_wait3A_83 = tpu.memref_slice %arg4[%add3A_13, %dma_wait3A] : memref<1280x125xi32, #tpu.memory_space<hbm>> -> memref<40x125xi32, #tpu.memory_space<hbm>>
      %dma_wait3A_84 = arith.constant 0 : i32
      %dma_wait3A_85 = tpu.memref_slice %arg4[%add3A_13, %dma_wait3A_84] : memref<1280x125xi32, #tpu.memory_space<hbm>> -> memref<40x125xi32, #tpu.memory_space<hbm>>
      tpu.wait_dma2 semaphore(%run_scoped3A : memref<!tpu.dma_semaphore, #tpu.memory_space<semaphore_mem>>) src(%dma_wait3A_85 : memref<40x125xi32, #tpu.memory_space<hbm>>) dst(%arg7 : memref<40x125xi32, #tpu.memory_space<vmem>>)
      tpu.yield
    }) : () -> ()
    %dma_start3A = arith.constant 0 : i32
    %dma_start3A_14 = arith.constant 0 : i32
    %dma_start3A_15 = arith.constant 0 : i32
    %dma_start3A_16 = tpu.memref_slice %arg6[%dma_start3A, %dma_start3A_15] : memref<40x125xi32, #tpu.memory_space<vmem>> -> memref<1x125xi32, #tpu.memory_space<vmem>>
    %dma_start3A_17 = tpu.memref_squeeze %dma_start3A_16 : memref<1x125xi32, #tpu.memory_space<vmem>> -> memref<125xi32, #tpu.memory_space<vmem>>
    %dma_start3A_18 = arith.constant 0 : i32
    %dma_start3A_19 = arith.constant 0 : i32
    %dma_start3A_20 = tpu.memref_slice %arg2[%dma_start3A_18, %dma_start3A_19] : memref<20480x128xf32, #tpu.memory_space<hbm>> -> memref<20480x128xf32, #tpu.memory_space<hbm>>
    %dma_start3A_21 = tpu.memref_slice %arg11[%dma_start3A_14] : memref<2x!tpu.dma_semaphore, #tpu.memory_space<semaphore_mem>> -> memref<1x!tpu.dma_semaphore, #tpu.memory_space<semaphore_mem>>
    %dma_start3A_22 = tpu.memref_squeeze %dma_start3A_21 : memref<1x!tpu.dma_semaphore, #tpu.memory_space<semaphore_mem>> -> memref<!tpu.dma_semaphore, #tpu.memory_space<semaphore_mem>>
    tpu.enqueue_indirect_dma source(%dma_start3A_20 : memref<20480x128xf32, #tpu.memory_space<hbm>>) target(%arg8 : memref<125x128xf32, #tpu.memory_space<vmem>>) offsets(%dma_start3A_17 : memref<125xi32, #tpu.memory_space<vmem>>) semaphore(%dma_start3A_22 : memref<!tpu.dma_semaphore, #tpu.memory_space<semaphore_mem>>)
    %dma_start3A_23 = arith.constant 1 : i32
    %dma_start3A_24 = arith.constant 1 : i32
    %dma_start3A_25 = arith.constant 0 : i32
    %dma_start3A_26 = tpu.memref_slice %arg6[%dma_start3A_23, %dma_start3A_25] : memref<40x125xi32, #tpu.memory_space<vmem>> -> memref<1x125xi32, #tpu.memory_space<vmem>>
    %dma_start3A_27 = tpu.memref_squeeze %dma_start3A_26 : memref<1x125xi32, #tpu.memory_space<vmem>> -> memref<125xi32, #tpu.memory_space<vmem>>
    %dma_start3A_28 = arith.constant 0 : i32
    %dma_start3A_29 = arith.constant 0 : i32
    %dma_start3A_30 = tpu.memref_slice %arg2[%dma_start3A_28, %dma_start3A_29] : memref<20480x128xf32, #tpu.memory_space<hbm>> -> memref<20480x128xf32, #tpu.memory_space<hbm>>
    %dma_start3A_31 = tpu.memref_slice %arg11[%dma_start3A_24] : memref<2x!tpu.dma_semaphore, #tpu.memory_space<semaphore_mem>> -> memref<1x!tpu.dma_semaphore, #tpu.memory_space<semaphore_mem>>
    %dma_start3A_32 = tpu.memref_squeeze %dma_start3A_31 : memref<1x!tpu.dma_semaphore, #tpu.memory_space<semaphore_mem>> -> memref<!tpu.dma_semaphore, #tpu.memory_space<semaphore_mem>>
    tpu.enqueue_indirect_dma source(%dma_start3A_30 : memref<20480x128xf32, #tpu.memory_space<hbm>>) target(%arg9 : memref<125x128xf32, #tpu.memory_space<vmem>>) offsets(%dma_start3A_27 : memref<125xi32, #tpu.memory_space<vmem>>) semaphore(%dma_start3A_32 : memref<!tpu.dma_semaphore, #tpu.memory_space<semaphore_mem>>)
    %scan3A = arith.constant 0 : i32
    %scan3A_33 = arith.constant 0 : i32
    %scan3A_34 = arith.constant 20 : i32
    %scan3A_35 = arith.addi %scan3A_33, %scan3A_34 : i32
    %scan3A_36 = arith.constant 1 : i32
    scf.for %scan3A_79 = %scan3A_33 to %scan3A_35 step %scan3A_36  : i32 {
      %mul3A_80 = arith.constant 2 : i32
      %mul3A_81 = arith.muli %scan3A_79, %mul3A_80 : i32
      %add3A_82 = arith.constant 0 : i32
      %add3A_83 = arith.addi %mul3A_81, %add3A_82 : i32
      %dma_wait3A = arith.constant 0 : i32
      %dma_wait3A_84 = arith.constant 0 : i32
      %dma_wait3A_85 = tpu.memref_slice %arg6[%add3A_83, %dma_wait3A_84] : memref<40x125xi32, #tpu.memory_space<vmem>> -> memref<1x125xi32, #tpu.memory_space<vmem>>
      %dma_wait3A_86 = tpu.memref_squeeze %dma_wait3A_85 : memref<1x125xi32, #tpu.memory_space<vmem>> -> memref<125xi32, #tpu.memory_space<vmem>>
      %dma_wait3A_87 = arith.constant 0 : i32
      %dma_wait3A_88 = arith.constant 0 : i32
      %dma_wait3A_89 = tpu.memref_slice %arg2[%dma_wait3A_87, %dma_wait3A_88] : memref<20480x128xf32, #tpu.memory_space<hbm>> -> memref<20480x128xf32, #tpu.memory_space<hbm>>
      %dma_wait3A_90 = tpu.memref_slice %arg11[%dma_wait3A] : memref<2x!tpu.dma_semaphore, #tpu.memory_space<semaphore_mem>> -> memref<1x!tpu.dma_semaphore, #tpu.memory_space<semaphore_mem>>
      %dma_wait3A_91 = tpu.memref_squeeze %dma_wait3A_90 : memref<1x!tpu.dma_semaphore, #tpu.memory_space<semaphore_mem>> -> memref<!tpu.dma_semaphore, #tpu.memory_space<semaphore_mem>>
      tpu.wait_indirect_dma semaphore(%dma_wait3A_91 : memref<!tpu.dma_semaphore, #tpu.memory_space<semaphore_mem>>) src(%dma_wait3A_89 : memref<20480x128xf32, #tpu.memory_space<hbm>>) dst(%arg8 : memref<125x128xf32, #tpu.memory_space<vmem>>)
      %dma_start3A_92 = arith.constant 0 : i32
      %dma_start3A_93 = arith.constant 0 : i32
      %dma_start3A_94 = tpu.memref_slice %arg7[%add3A_83, %dma_start3A_93] : memref<40x125xi32, #tpu.memory_space<vmem>> -> memref<1x125xi32, #tpu.memory_space<vmem>>
      %dma_start3A_95 = tpu.memref_squeeze %dma_start3A_94 : memref<1x125xi32, #tpu.memory_space<vmem>> -> memref<125xi32, #tpu.memory_space<vmem>>
      %dma_start3A_96 = arith.constant 0 : i32
      %dma_start3A_97 = arith.constant 0 : i32
      %dma_start3A_98 = tpu.memref_slice %arg10[%dma_start3A_96, %dma_start3A_97] : memref<10240x128xf32, #tpu.memory_space<vmem_shared>> -> memref<10240x128xf32, #tpu.memory_space<vmem_shared>>
      %dma_start3A_99 = tpu.memref_slice %arg12[%dma_start3A_92] : memref<2x!tpu.dma_semaphore, #tpu.memory_space<semaphore_mem>> -> memref<1x!tpu.dma_semaphore, #tpu.memory_space<semaphore_mem>>
      %dma_start3A_100 = tpu.memref_squeeze %dma_start3A_99 : memref<1x!tpu.dma_semaphore, #tpu.memory_space<semaphore_mem>> -> memref<!tpu.dma_semaphore, #tpu.memory_space<semaphore_mem>>
      tpu.enqueue_indirect_dma source(%arg8 : memref<125x128xf32, #tpu.memory_space<vmem>>) target(%dma_start3A_98 : memref<10240x128xf32, #tpu.memory_space<vmem_shared>>) offsets(%dma_start3A_95 : memref<125xi32, #tpu.memory_space<vmem>>) semaphore(%dma_start3A_100 : memref<!tpu.dma_semaphore, #tpu.memory_space<semaphore_mem>>) {add = true}
      %mul3A_101 = arith.constant 2 : i32
      %mul3A_102 = arith.muli %scan3A_79, %mul3A_101 : i32
      %add3A_103 = arith.constant 1 : i32
      %add3A_104 = arith.addi %mul3A_102, %add3A_103 : i32
      %dma_wait3A_105 = arith.constant 1 : i32
      %dma_wait3A_106 = arith.constant 0 : i32
      %dma_wait3A_107 = tpu.memref_slice %arg6[%add3A_104, %dma_wait3A_106] : memref<40x125xi32, #tpu.memory_space<vmem>> -> memref<1x125xi32, #tpu.memory_space<vmem>>
      %dma_wait3A_108 = tpu.memref_squeeze %dma_wait3A_107 : memref<1x125xi32, #tpu.memory_space<vmem>> -> memref<125xi32, #tpu.memory_space<vmem>>
      %dma_wait3A_109 = arith.constant 0 : i32
      %dma_wait3A_110 = arith.constant 0 : i32
      %dma_wait3A_111 = tpu.memref_slice %arg2[%dma_wait3A_109, %dma_wait3A_110] : memref<20480x128xf32, #tpu.memory_space<hbm>> -> memref<20480x128xf32, #tpu.memory_space<hbm>>
      %dma_wait3A_112 = tpu.memref_slice %arg11[%dma_wait3A_105] : memref<2x!tpu.dma_semaphore, #tpu.memory_space<semaphore_mem>> -> memref<1x!tpu.dma_semaphore, #tpu.memory_space<semaphore_mem>>
      %dma_wait3A_113 = tpu.memref_squeeze %dma_wait3A_112 : memref<1x!tpu.dma_semaphore, #tpu.memory_space<semaphore_mem>> -> memref<!tpu.dma_semaphore, #tpu.memory_space<semaphore_mem>>
      tpu.wait_indirect_dma semaphore(%dma_wait3A_113 : memref<!tpu.dma_semaphore, #tpu.memory_space<semaphore_mem>>) src(%dma_wait3A_111 : memref<20480x128xf32, #tpu.memory_space<hbm>>) dst(%arg9 : memref<125x128xf32, #tpu.memory_space<vmem>>)
      %dma_start3A_114 = arith.constant 1 : i32
      %dma_start3A_115 = arith.constant 0 : i32
      %dma_start3A_116 = tpu.memref_slice %arg7[%add3A_104, %dma_start3A_115] : memref<40x125xi32, #tpu.memory_space<vmem>> -> memref<1x125xi32, #tpu.memory_space<vmem>>
      %dma_start3A_117 = tpu.memref_squeeze %dma_start3A_116 : memref<1x125xi32, #tpu.memory_space<vmem>> -> memref<125xi32, #tpu.memory_space<vmem>>
      %dma_start3A_118 = arith.constant 0 : i32
      %dma_start3A_119 = arith.constant 0 : i32
      %dma_start3A_120 = tpu.memref_slice %arg10[%dma_start3A_118, %dma_start3A_119] : memref<10240x128xf32, #tpu.memory_space<vmem_shared>> -> memref<10240x128xf32, #tpu.memory_space<vmem_shared>>
      %dma_start3A_121 = tpu.memref_slice %arg12[%dma_start3A_114] : memref<2x!tpu.dma_semaphore, #tpu.memory_space<semaphore_mem>> -> memref<1x!tpu.dma_semaphore, #tpu.memory_space<semaphore_mem>>
      %dma_start3A_122 = tpu.memref_squeeze %dma_start3A_121 : memref<1x!tpu.dma_semaphore, #tpu.memory_space<semaphore_mem>> -> memref<!tpu.dma_semaphore, #tpu.memory_space<semaphore_mem>>
      tpu.enqueue_indirect_dma source(%arg9 : memref<125x128xf32, #tpu.memory_space<vmem>>) target(%dma_start3A_120 : memref<10240x128xf32, #tpu.memory_space<vmem_shared>>) offsets(%dma_start3A_117 : memref<125xi32, #tpu.memory_space<vmem>>) semaphore(%dma_start3A_122 : memref<!tpu.dma_semaphore, #tpu.memory_space<semaphore_mem>>) {add = true}
      %mul3A_123 = arith.constant 2 : i32
      %mul3A_124 = arith.muli %scan3A_79, %mul3A_123 : i32
      %add3A_125 = arith.constant 0 : i32
      %add3A_126 = arith.addi %mul3A_124, %add3A_125 : i32
      %add3A_127 = arith.constant 2 : i32
      %add3A_128 = arith.addi %add3A_126, %add3A_127 : i32
      %dma_wait3A_129 = arith.constant 0 : i32
      %dma_wait3A_130 = arith.constant 0 : i32
      %dma_wait3A_131 = tpu.memref_slice %arg7[%add3A_126, %dma_wait3A_130] : memref<40x125xi32, #tpu.memory_space<vmem>> -> memref<1x125xi32, #tpu.memory_space<vmem>>
      %dma_wait3A_132 = tpu.memref_squeeze %dma_wait3A_131 : memref<1x125xi32, #tpu.memory_space<vmem>> -> memref<125xi32, #tpu.memory_space<vmem>>
      %dma_wait3A_133 = arith.constant 0 : i32
      %dma_wait3A_134 = arith.constant 0 : i32
      %dma_wait3A_135 = tpu.memref_slice %arg10[%dma_wait3A_133, %dma_wait3A_134] : memref<10240x128xf32, #tpu.memory_space<vmem_shared>> -> memref<10240x128xf32, #tpu.memory_space<vmem_shared>>
      %dma_wait3A_136 = tpu.memref_slice %arg12[%dma_wait3A_129] : memref<2x!tpu.dma_semaphore, #tpu.memory_space<semaphore_mem>> -> memref<1x!tpu.dma_semaphore, #tpu.memory_space<semaphore_mem>>
      %dma_wait3A_137 = tpu.memref_squeeze %dma_wait3A_136 : memref<1x!tpu.dma_semaphore, #tpu.memory_space<semaphore_mem>> -> memref<!tpu.dma_semaphore, #tpu.memory_space<semaphore_mem>>
      tpu.wait_indirect_dma semaphore(%dma_wait3A_137 : memref<!tpu.dma_semaphore, #tpu.memory_space<semaphore_mem>>) src(%arg8 : memref<125x128xf32, #tpu.memory_space<vmem>>) dst(%dma_wait3A_135 : memref<10240x128xf32, #tpu.memory_space<vmem_shared>>)
      %lt3A = arith.constant 40 : i32
      %lt3A_138 = arith.cmpi slt, %add3A_128, %lt3A : i32
      %convert_element_type3A = arith.extui %lt3A_138 : i1 to i32
      %cond3A = arith.constant 0 : i32
      %cond3A_139 = arith.cmpi ne, %convert_element_type3A, %cond3A : i32
      scf.if %cond3A_139 {
        %dma_start3A_160 = arith.constant 0 : i32
        %dma_start3A_161 = arith.constant 0 : i32
        %dma_start3A_162 = tpu.memref_slice %arg6[%add3A_128, %dma_start3A_161] : memref<40x125xi32, #tpu.memory_space<vmem>> -> memref<1x125xi32, #tpu.memory_space<vmem>>
        %dma_start3A_163 = tpu.memref_squeeze %dma_start3A_162 : memref<1x125xi32, #tpu.memory_space<vmem>> -> memref<125xi32, #tpu.memory_space<vmem>>
        %dma_start3A_164 = arith.constant 0 : i32
        %dma_start3A_165 = arith.constant 0 : i32
        %dma_start3A_166 = tpu.memref_slice %arg2[%dma_start3A_164, %dma_start3A_165] : memref<20480x128xf32, #tpu.memory_space<hbm>> -> memref<20480x128xf32, #tpu.memory_space<hbm>>
        %dma_start3A_167 = tpu.memref_slice %arg11[%dma_start3A_160] : memref<2x!tpu.dma_semaphore, #tpu.memory_space<semaphore_mem>> -> memref<1x!tpu.dma_semaphore, #tpu.memory_space<semaphore_mem>>
        %dma_start3A_168 = tpu.memref_squeeze %dma_start3A_167 : memref<1x!tpu.dma_semaphore, #tpu.memory_space<semaphore_mem>> -> memref<!tpu.dma_semaphore, #tpu.memory_space<semaphore_mem>>
        tpu.enqueue_indirect_dma source(%dma_start3A_166 : memref<20480x128xf32, #tpu.memory_space<hbm>>) target(%arg8 : memref<125x128xf32, #tpu.memory_space<vmem>>) offsets(%dma_start3A_163 : memref<125xi32, #tpu.memory_space<vmem>>) semaphore(%dma_start3A_168 : memref<!tpu.dma_semaphore, #tpu.memory_space<semaphore_mem>>)
      } else {
      }
      %mul3A_140 = arith.constant 2 : i32
      %mul3A_141 = arith.muli %scan3A_79, %mul3A_140 : i32
      %add3A_142 = arith.constant 1 : i32
      %add3A_143 = arith.addi %mul3A_141, %add3A_142 : i32
      %add3A_144 = arith.constant 2 : i32
      %add3A_145 = arith.addi %add3A_143, %add3A_144 : i32
      %dma_wait3A_146 = arith.constant 1 : i32
      %dma_wait3A_147 = arith.constant 0 : i32
      %dma_wait3A_148 = tpu.memref_slice %arg7[%add3A_143, %dma_wait3A_147] : memref<40x125xi32, #tpu.memory_space<vmem>> -> memref<1x125xi32, #tpu.memory_space<vmem>>
      %dma_wait3A_149 = tpu.memref_squeeze %dma_wait3A_148 : memref<1x125xi32, #tpu.memory_space<vmem>> -> memref<125xi32, #tpu.memory_space<vmem>>
      %dma_wait3A_150 = arith.constant 0 : i32
      %dma_wait3A_151 = arith.constant 0 : i32
      %dma_wait3A_152 = tpu.memref_slice %arg10[%dma_wait3A_150, %dma_wait3A_151] : memref<10240x128xf32, #tpu.memory_space<vmem_shared>> -> memref<10240x128xf32, #tpu.memory_space<vmem_shared>>
      %dma_wait3A_153 = tpu.memref_slice %arg12[%dma_wait3A_146] : memref<2x!tpu.dma_semaphore, #tpu.memory_space<semaphore_mem>> -> memref<1x!tpu.dma_semaphore, #tpu.memory_space<semaphore_mem>>
      %dma_wait3A_154 = tpu.memref_squeeze %dma_wait3A_153 : memref<1x!tpu.dma_semaphore, #tpu.memory_space<semaphore_mem>> -> memref<!tpu.dma_semaphore, #tpu.memory_space<semaphore_mem>>
      tpu.wait_indirect_dma semaphore(%dma_wait3A_154 : memref<!tpu.dma_semaphore, #tpu.memory_space<semaphore_mem>>) src(%arg9 : memref<125x128xf32, #tpu.memory_space<vmem>>) dst(%dma_wait3A_152 : memref<10240x128xf32, #tpu.memory_space<vmem_shared>>)
      %lt3A_155 = arith.constant 40 : i32
      %lt3A_156 = arith.cmpi slt, %add3A_145, %lt3A_155 : i32
      %convert_element_type3A_157 = arith.extui %lt3A_156 : i1 to i32
      %cond3A_158 = arith.constant 0 : i32
      %cond3A_159 = arith.cmpi ne, %convert_element_type3A_157, %cond3A_158 : i32
      scf.if %cond3A_159 {
        %dma_start3A_160 = arith.constant 1 : i32
        %dma_start3A_161 = arith.constant 0 : i32
        %dma_start3A_162 = tpu.memref_slice %arg6[%add3A_145, %dma_start3A_161] : memref<40x125xi32, #tpu.memory_space<vmem>> -> memref<1x125xi32, #tpu.memory_space<vmem>>
        %dma_start3A_163 = tpu.memref_squeeze %dma_start3A_162 : memref<1x125xi32, #tpu.memory_space<vmem>> -> memref<125xi32, #tpu.memory_space<vmem>>
        %dma_start3A_164 = arith.constant 0 : i32
        %dma_start3A_165 = arith.constant 0 : i32
        %dma_start3A_166 = tpu.memref_slice %arg2[%dma_start3A_164, %dma_start3A_165] : memref<20480x128xf32, #tpu.memory_space<hbm>> -> memref<20480x128xf32, #tpu.memory_space<hbm>>
        %dma_start3A_167 = tpu.memref_slice %arg11[%dma_start3A_160] : memref<2x!tpu.dma_semaphore, #tpu.memory_space<semaphore_mem>> -> memref<1x!tpu.dma_semaphore, #tpu.memory_space<semaphore_mem>>
        %dma_start3A_168 = tpu.memref_squeeze %dma_start3A_167 : memref<1x!tpu.dma_semaphore, #tpu.memory_space<semaphore_mem>> -> memref<!tpu.dma_semaphore, #tpu.memory_space<semaphore_mem>>
        tpu.enqueue_indirect_dma source(%dma_start3A_166 : memref<20480x128xf32, #tpu.memory_space<hbm>>) target(%arg9 : memref<125x128xf32, #tpu.memory_space<vmem>>) offsets(%dma_start3A_163 : memref<125xi32, #tpu.memory_space<vmem>>) semaphore(%dma_start3A_168 : memref<!tpu.dma_semaphore, #tpu.memory_space<semaphore_mem>>)
      } else {
      }
    }
    %scan3A_37 = arith.constant 20 : i32
    %mul3A_38 = arith.constant 1280 : i32
    %mul3A_39 = arith.muli %arg0, %mul3A_38 : i32
    %mul3A_40 = arith.constant 80 : i32
    %mul3A_41 = arith.muli %arg1, %mul3A_40 : i32
    %add3A_42 = arith.addi %mul3A_39, %mul3A_41 : i32
    %add3A_43 = arith.constant 40 : i32
    %add3A_44 = arith.addi %add3A_42, %add3A_43 : i32
    "tpu.region"() ({
      %run_scoped3A = tpu.sem_alloc : memref<!tpu.dma_semaphore, #tpu.memory_space<semaphore_mem>>
      %dma_start3A_79 = arith.constant 0 : i32
      %dma_start3A_80 = tpu.memref_slice %arg3[%add3A_44, %dma_start3A_79] : memref<2560x125xi32, #tpu.memory_space<hbm>> -> memref<40x125xi32, #tpu.memory_space<hbm>>
      %dma_start3A_81 = arith.constant 0 : i32
      %dma_start3A_82 = tpu.memref_slice %arg3[%add3A_44, %dma_start3A_81] : memref<2560x125xi32, #tpu.memory_space<hbm>> -> memref<40x125xi32, #tpu.memory_space<hbm>>
      tpu.enqueue_dma source(%dma_start3A_82 : memref<40x125xi32, #tpu.memory_space<hbm>>) target(%arg6 : memref<40x125xi32, #tpu.memory_space<vmem>>) target_semaphore(%run_scoped3A : memref<!tpu.dma_semaphore, #tpu.memory_space<semaphore_mem>>)
      %dma_wait3A = arith.constant 0 : i32
      %dma_wait3A_83 = tpu.memref_slice %arg3[%add3A_44, %dma_wait3A] : memref<2560x125xi32, #tpu.memory_space<hbm>> -> memref<40x125xi32, #tpu.memory_space<hbm>>
      %dma_wait3A_84 = arith.constant 0 : i32
      %dma_wait3A_85 = tpu.memref_slice %arg3[%add3A_44, %dma_wait3A_84] : memref<2560x125xi32, #tpu.memory_space<hbm>> -> memref<40x125xi32, #tpu.memory_space<hbm>>
      tpu.wait_dma2 semaphore(%run_scoped3A : memref<!tpu.dma_semaphore, #tpu.memory_space<semaphore_mem>>) src(%dma_wait3A_85 : memref<40x125xi32, #tpu.memory_space<hbm>>) dst(%arg6 : memref<40x125xi32, #tpu.memory_space<vmem>>)
      tpu.yield
    }) : () -> ()
    %mul3A_45 = arith.constant 80 : i32
    %mul3A_46 = arith.muli %arg1, %mul3A_45 : i32
    %add3A_47 = arith.constant 40 : i32
    %add3A_48 = arith.addi %mul3A_46, %add3A_47 : i32
    "tpu.region"() ({
      %run_scoped3A = tpu.sem_alloc : memref<!tpu.dma_semaphore, #tpu.memory_space<semaphore_mem>>
      %dma_start3A_79 = arith.constant 0 : i32
      %dma_start3A_80 = tpu.memref_slice %arg4[%add3A_48, %dma_start3A_79] : memref<1280x125xi32, #tpu.memory_space<hbm>> -> memref<40x125xi32, #tpu.memory_space<hbm>>
      %dma_start3A_81 = arith.constant 0 : i32
      %dma_start3A_82 = tpu.memref_slice %arg4[%add3A_48, %dma_start3A_81] : memref<1280x125xi32, #tpu.memory_space<hbm>> -> memref<40x125xi32, #tpu.memory_space<hbm>>
      tpu.enqueue_dma source(%dma_start3A_82 : memref<40x125xi32, #tpu.memory_space<hbm>>) target(%arg7 : memref<40x125xi32, #tpu.memory_space<vmem>>) target_semaphore(%run_scoped3A : memref<!tpu.dma_semaphore, #tpu.memory_space<semaphore_mem>>)
      %dma_wait3A = arith.constant 0 : i32
      %dma_wait3A_83 = tpu.memref_slice %arg4[%add3A_48, %dma_wait3A] : memref<1280x125xi32, #tpu.memory_space<hbm>> -> memref<40x125xi32, #tpu.memory_space<hbm>>
      %dma_wait3A_84 = arith.constant 0 : i32
      %dma_wait3A_85 = tpu.memref_slice %arg4[%add3A_48, %dma_wait3A_84] : memref<1280x125xi32, #tpu.memory_space<hbm>> -> memref<40x125xi32, #tpu.memory_space<hbm>>
      tpu.wait_dma2 semaphore(%run_scoped3A : memref<!tpu.dma_semaphore, #tpu.memory_space<semaphore_mem>>) src(%dma_wait3A_85 : memref<40x125xi32, #tpu.memory_space<hbm>>) dst(%arg7 : memref<40x125xi32, #tpu.memory_space<vmem>>)
      tpu.yield
    }) : () -> ()
    %dma_start3A_49 = arith.constant 0 : i32
    %dma_start3A_50 = arith.constant 0 : i32
    %dma_start3A_51 = arith.constant 0 : i32
    %dma_start3A_52 = tpu.memref_slice %arg6[%dma_start3A_49, %dma_start3A_51] : memref<40x125xi32, #tpu.memory_space<vmem>> -> memref<1x125xi32, #tpu.memory_space<vmem>>
    %dma_start3A_53 = tpu.memref_squeeze %dma_start3A_52 : memref<1x125xi32, #tpu.memory_space<vmem>> -> memref<125xi32, #tpu.memory_space<vmem>>
    %dma_start3A_54 = arith.constant 0 : i32
    %dma_start3A_55 = arith.constant 0 : i32
    %dma_start3A_56 = tpu.memref_slice %arg2[%dma_start3A_54, %dma_start3A_55] : memref<20480x128xf32, #tpu.memory_space<hbm>> -> memref<20480x128xf32, #tpu.memory_space<hbm>>
    %dma_start3A_57 = tpu.memref_slice %arg11[%dma_start3A_50] : memref<2x!tpu.dma_semaphore, #tpu.memory_space<semaphore_mem>> -> memref<1x!tpu.dma_semaphore, #tpu.memory_space<semaphore_mem>>
    %dma_start3A_58 = tpu.memref_squeeze %dma_start3A_57 : memref<1x!tpu.dma_semaphore, #tpu.memory_space<semaphore_mem>> -> memref<!tpu.dma_semaphore, #tpu.memory_space<semaphore_mem>>
    tpu.enqueue_indirect_dma source(%dma_start3A_56 : memref<20480x128xf32, #tpu.memory_space<hbm>>) target(%arg8 : memref<125x128xf32, #tpu.memory_space<vmem>>) offsets(%dma_start3A_53 : memref<125xi32, #tpu.memory_space<vmem>>) semaphore(%dma_start3A_58 : memref<!tpu.dma_semaphore, #tpu.memory_space<semaphore_mem>>)
    %dma_start3A_59 = arith.constant 1 : i32
    %dma_start3A_60 = arith.constant 1 : i32
    %dma_start3A_61 = arith.constant 0 : i32
    %dma_start3A_62 = tpu.memref_slice %arg6[%dma_start3A_59, %dma_start3A_61] : memref<40x125xi32, #tpu.memory_space<vmem>> -> memref<1x125xi32, #tpu.memory_space<vmem>>
    %dma_start3A_63 = tpu.memref_squeeze %dma_start3A_62 : memref<1x125xi32, #tpu.memory_space<vmem>> -> memref<125xi32, #tpu.memory_space<vmem>>
    %dma_start3A_64 = arith.constant 0 : i32
    %dma_start3A_65 = arith.constant 0 : i32
    %dma_start3A_66 = tpu.memref_slice %arg2[%dma_start3A_64, %dma_start3A_65] : memref<20480x128xf32, #tpu.memory_space<hbm>> -> memref<20480x128xf32, #tpu.memory_space<hbm>>
    %dma_start3A_67 = tpu.memref_slice %arg11[%dma_start3A_60] : memref<2x!tpu.dma_semaphore, #tpu.memory_space<semaphore_mem>> -> memref<1x!tpu.dma_semaphore, #tpu.memory_space<semaphore_mem>>
    %dma_start3A_68 = tpu.memref_squeeze %dma_start3A_67 : memref<1x!tpu.dma_semaphore, #tpu.memory_space<semaphore_mem>> -> memref<!tpu.dma_semaphore, #tpu.memory_space<semaphore_mem>>
    tpu.enqueue_indirect_dma source(%dma_start3A_66 : memref<20480x128xf32, #tpu.memory_space<hbm>>) target(%arg9 : memref<125x128xf32, #tpu.memory_space<vmem>>) offsets(%dma_start3A_63 : memref<125xi32, #tpu.memory_space<vmem>>) semaphore(%dma_start3A_68 : memref<!tpu.dma_semaphore, #tpu.memory_space<semaphore_mem>>)
    %scan3A_69 = arith.constant 0 : i32
    %scan3A_70 = arith.constant 0 : i32
    %scan3A_71 = arith.constant 20 : i32
    %scan3A_72 = arith.addi %scan3A_70, %scan3A_71 : i32
    %scan3A_73 = arith.constant 1 : i32
    scf.for %scan3A_79 = %scan3A_70 to %scan3A_72 step %scan3A_73  : i32 {
      %mul3A_80 = arith.constant 2 : i32
      %mul3A_81 = arith.muli %scan3A_79, %mul3A_80 : i32
      %add3A_82 = arith.constant 0 : i32
      %add3A_83 = arith.addi %mul3A_81, %add3A_82 : i32
      %dma_wait3A = arith.constant 0 : i32
      %dma_wait3A_84 = arith.constant 0 : i32
      %dma_wait3A_85 = tpu.memref_slice %arg6[%add3A_83, %dma_wait3A_84] : memref<40x125xi32, #tpu.memory_space<vmem>> -> memref<1x125xi32, #tpu.memory_space<vmem>>
      %dma_wait3A_86 = tpu.memref_squeeze %dma_wait3A_85 : memref<1x125xi32, #tpu.memory_space<vmem>> -> memref<125xi32, #tpu.memory_space<vmem>>
      %dma_wait3A_87 = arith.constant 0 : i32
      %dma_wait3A_88 = arith.constant 0 : i32
      %dma_wait3A_89 = tpu.memref_slice %arg2[%dma_wait3A_87, %dma_wait3A_88] : memref<20480x128xf32, #tpu.memory_space<hbm>> -> memref<20480x128xf32, #tpu.memory_space<hbm>>
      %dma_wait3A_90 = tpu.memref_slice %arg11[%dma_wait3A] : memref<2x!tpu.dma_semaphore, #tpu.memory_space<semaphore_mem>> -> memref<1x!tpu.dma_semaphore, #tpu.memory_space<semaphore_mem>>
      %dma_wait3A_91 = tpu.memref_squeeze %dma_wait3A_90 : memref<1x!tpu.dma_semaphore, #tpu.memory_space<semaphore_mem>> -> memref<!tpu.dma_semaphore, #tpu.memory_space<semaphore_mem>>
      tpu.wait_indirect_dma semaphore(%dma_wait3A_91 : memref<!tpu.dma_semaphore, #tpu.memory_space<semaphore_mem>>) src(%dma_wait3A_89 : memref<20480x128xf32, #tpu.memory_space<hbm>>) dst(%arg8 : memref<125x128xf32, #tpu.memory_space<vmem>>)
      %dma_start3A_92 = arith.constant 0 : i32
      %dma_start3A_93 = arith.constant 0 : i32
      %dma_start3A_94 = tpu.memref_slice %arg7[%add3A_83, %dma_start3A_93] : memref<40x125xi32, #tpu.memory_space<vmem>> -> memref<1x125xi32, #tpu.memory_space<vmem>>
      %dma_start3A_95 = tpu.memref_squeeze %dma_start3A_94 : memref<1x125xi32, #tpu.memory_space<vmem>> -> memref<125xi32, #tpu.memory_space<vmem>>
      %dma_start3A_96 = arith.constant 0 : i32
      %dma_start3A_97 = arith.constant 0 : i32
      %dma_start3A_98 = tpu.memref_slice %arg10[%dma_start3A_96, %dma_start3A_97] : memref<10240x128xf32, #tpu.memory_space<vmem_shared>> -> memref<10240x128xf32, #tpu.memory_space<vmem_shared>>
      %dma_start3A_99 = tpu.memref_slice %arg12[%dma_start3A_92] : memref<2x!tpu.dma_semaphore, #tpu.memory_space<semaphore_mem>> -> memref<1x!tpu.dma_semaphore, #tpu.memory_space<semaphore_mem>>
      %dma_start3A_100 = tpu.memref_squeeze %dma_start3A_99 : memref<1x!tpu.dma_semaphore, #tpu.memory_space<semaphore_mem>> -> memref<!tpu.dma_semaphore, #tpu.memory_space<semaphore_mem>>
      tpu.enqueue_indirect_dma source(%arg8 : memref<125x128xf32, #tpu.memory_space<vmem>>) target(%dma_start3A_98 : memref<10240x128xf32, #tpu.memory_space<vmem_shared>>) offsets(%dma_start3A_95 : memref<125xi32, #tpu.memory_space<vmem>>) semaphore(%dma_start3A_100 : memref<!tpu.dma_semaphore, #tpu.memory_space<semaphore_mem>>) {add = true}
      %mul3A_101 = arith.constant 2 : i32
      %mul3A_102 = arith.muli %scan3A_79, %mul3A_101 : i32
      %add3A_103 = arith.constant 1 : i32
      %add3A_104 = arith.addi %mul3A_102, %add3A_103 : i32
      %dma_wait3A_105 = arith.constant 1 : i32
      %dma_wait3A_106 = arith.constant 0 : i32
      %dma_wait3A_107 = tpu.memref_slice %arg6[%add3A_104, %dma_wait3A_106] : memref<40x125xi32, #tpu.memory_space<vmem>> -> memref<1x125xi32, #tpu.memory_space<vmem>>
      %dma_wait3A_108 = tpu.memref_squeeze %dma_wait3A_107 : memref<1x125xi32, #tpu.memory_space<vmem>> -> memref<125xi32, #tpu.memory_space<vmem>>
      %dma_wait3A_109 = arith.constant 0 : i32
      %dma_wait3A_110 = arith.constant 0 : i32
      %dma_wait3A_111 = tpu.memref_slice %arg2[%dma_wait3A_109, %dma_wait3A_110] : memref<20480x128xf32, #tpu.memory_space<hbm>> -> memref<20480x128xf32, #tpu.memory_space<hbm>>
      %dma_wait3A_112 = tpu.memref_slice %arg11[%dma_wait3A_105] : memref<2x!tpu.dma_semaphore, #tpu.memory_space<semaphore_mem>> -> memref<1x!tpu.dma_semaphore, #tpu.memory_space<semaphore_mem>>
      %dma_wait3A_113 = tpu.memref_squeeze %dma_wait3A_112 : memref<1x!tpu.dma_semaphore, #tpu.memory_space<semaphore_mem>> -> memref<!tpu.dma_semaphore, #tpu.memory_space<semaphore_mem>>
      tpu.wait_indirect_dma semaphore(%dma_wait3A_113 : memref<!tpu.dma_semaphore, #tpu.memory_space<semaphore_mem>>) src(%dma_wait3A_111 : memref<20480x128xf32, #tpu.memory_space<hbm>>) dst(%arg9 : memref<125x128xf32, #tpu.memory_space<vmem>>)
      %dma_start3A_114 = arith.constant 1 : i32
      %dma_start3A_115 = arith.constant 0 : i32
      %dma_start3A_116 = tpu.memref_slice %arg7[%add3A_104, %dma_start3A_115] : memref<40x125xi32, #tpu.memory_space<vmem>> -> memref<1x125xi32, #tpu.memory_space<vmem>>
      %dma_start3A_117 = tpu.memref_squeeze %dma_start3A_116 : memref<1x125xi32, #tpu.memory_space<vmem>> -> memref<125xi32, #tpu.memory_space<vmem>>
      %dma_start3A_118 = arith.constant 0 : i32
      %dma_start3A_119 = arith.constant 0 : i32
      %dma_start3A_120 = tpu.memref_slice %arg10[%dma_start3A_118, %dma_start3A_119] : memref<10240x128xf32, #tpu.memory_space<vmem_shared>> -> memref<10240x128xf32, #tpu.memory_space<vmem_shared>>
      %dma_start3A_121 = tpu.memref_slice %arg12[%dma_start3A_114] : memref<2x!tpu.dma_semaphore, #tpu.memory_space<semaphore_mem>> -> memref<1x!tpu.dma_semaphore, #tpu.memory_space<semaphore_mem>>
      %dma_start3A_122 = tpu.memref_squeeze %dma_start3A_121 : memref<1x!tpu.dma_semaphore, #tpu.memory_space<semaphore_mem>> -> memref<!tpu.dma_semaphore, #tpu.memory_space<semaphore_mem>>
      tpu.enqueue_indirect_dma source(%arg9 : memref<125x128xf32, #tpu.memory_space<vmem>>) target(%dma_start3A_120 : memref<10240x128xf32, #tpu.memory_space<vmem_shared>>) offsets(%dma_start3A_117 : memref<125xi32, #tpu.memory_space<vmem>>) semaphore(%dma_start3A_122 : memref<!tpu.dma_semaphore, #tpu.memory_space<semaphore_mem>>) {add = true}
      %mul3A_123 = arith.constant 2 : i32
      %mul3A_124 = arith.muli %scan3A_79, %mul3A_123 : i32
      %add3A_125 = arith.constant 0 : i32
      %add3A_126 = arith.addi %mul3A_124, %add3A_125 : i32
      %add3A_127 = arith.constant 2 : i32
      %add3A_128 = arith.addi %add3A_126, %add3A_127 : i32
      %dma_wait3A_129 = arith.constant 0 : i32
      %dma_wait3A_130 = arith.constant 0 : i32
      %dma_wait3A_131 = tpu.memref_slice %arg7[%add3A_126, %dma_wait3A_130] : memref<40x125xi32, #tpu.memory_space<vmem>> -> memref<1x125xi32, #tpu.memory_space<vmem>>
      %dma_wait3A_132 = tpu.memref_squeeze %dma_wait3A_131 : memref<1x125xi32, #tpu.memory_space<vmem>> -> memref<125xi32, #tpu.memory_space<vmem>>
      %dma_wait3A_133 = arith.constant 0 : i32
      %dma_wait3A_134 = arith.constant 0 : i32
      %dma_wait3A_135 = tpu.memref_slice %arg10[%dma_wait3A_133, %dma_wait3A_134] : memref<10240x128xf32, #tpu.memory_space<vmem_shared>> -> memref<10240x128xf32, #tpu.memory_space<vmem_shared>>
      %dma_wait3A_136 = tpu.memref_slice %arg12[%dma_wait3A_129] : memref<2x!tpu.dma_semaphore, #tpu.memory_space<semaphore_mem>> -> memref<1x!tpu.dma_semaphore, #tpu.memory_space<semaphore_mem>>
      %dma_wait3A_137 = tpu.memref_squeeze %dma_wait3A_136 : memref<1x!tpu.dma_semaphore, #tpu.memory_space<semaphore_mem>> -> memref<!tpu.dma_semaphore, #tpu.memory_space<semaphore_mem>>
      tpu.wait_indirect_dma semaphore(%dma_wait3A_137 : memref<!tpu.dma_semaphore, #tpu.memory_space<semaphore_mem>>) src(%arg8 : memref<125x128xf32, #tpu.memory_space<vmem>>) dst(%dma_wait3A_135 : memref<10240x128xf32, #tpu.memory_space<vmem_shared>>)
      %lt3A = arith.constant 40 : i32
      %lt3A_138 = arith.cmpi slt, %add3A_128, %lt3A : i32
      %convert_element_type3A = arith.extui %lt3A_138 : i1 to i32
      %cond3A = arith.constant 0 : i32
      %cond3A_139 = arith.cmpi ne, %convert_element_type3A, %cond3A : i32
      scf.if %cond3A_139 {
        %dma_start3A_160 = arith.constant 0 : i32
        %dma_start3A_161 = arith.constant 0 : i32
        %dma_start3A_162 = tpu.memref_slice %arg6[%add3A_128, %dma_start3A_161] : memref<40x125xi32, #tpu.memory_space<vmem>> -> memref<1x125xi32, #tpu.memory_space<vmem>>
        %dma_start3A_163 = tpu.memref_squeeze %dma_start3A_162 : memref<1x125xi32, #tpu.memory_space<vmem>> -> memref<125xi32, #tpu.memory_space<vmem>>
        %dma_start3A_164 = arith.constant 0 : i32
        %dma_start3A_165 = arith.constant 0 : i32
        %dma_start3A_166 = tpu.memref_slice %arg2[%dma_start3A_164, %dma_start3A_165] : memref<20480x128xf32, #tpu.memory_space<hbm>> -> memref<20480x128xf32, #tpu.memory_space<hbm>>
        %dma_start3A_167 = tpu.memref_slice %arg11[%dma_start3A_160] : memref<2x!tpu.dma_semaphore, #tpu.memory_space<semaphore_mem>> -> memref<1x!tpu.dma_semaphore, #tpu.memory_space<semaphore_mem>>
        %dma_start3A_168 = tpu.memref_squeeze %dma_start3A_167 : memref<1x!tpu.dma_semaphore, #tpu.memory_space<semaphore_mem>> -> memref<!tpu.dma_semaphore, #tpu.memory_space<semaphore_mem>>
        tpu.enqueue_indirect_dma source(%dma_start3A_166 : memref<20480x128xf32, #tpu.memory_space<hbm>>) target(%arg8 : memref<125x128xf32, #tpu.memory_space<vmem>>) offsets(%dma_start3A_163 : memref<125xi32, #tpu.memory_space<vmem>>) semaphore(%dma_start3A_168 : memref<!tpu.dma_semaphore, #tpu.memory_space<semaphore_mem>>)
      } else {
      }
      %mul3A_140 = arith.constant 2 : i32
      %mul3A_141 = arith.muli %scan3A_79, %mul3A_140 : i32
      %add3A_142 = arith.constant 1 : i32
      %add3A_143 = arith.addi %mul3A_141, %add3A_142 : i32
      %add3A_144 = arith.constant 2 : i32
      %add3A_145 = arith.addi %add3A_143, %add3A_144 : i32
      %dma_wait3A_146 = arith.constant 1 : i32
      %dma_wait3A_147 = arith.constant 0 : i32
      %dma_wait3A_148 = tpu.memref_slice %arg7[%add3A_143, %dma_wait3A_147] : memref<40x125xi32, #tpu.memory_space<vmem>> -> memref<1x125xi32, #tpu.memory_space<vmem>>
      %dma_wait3A_149 = tpu.memref_squeeze %dma_wait3A_148 : memref<1x125xi32, #tpu.memory_space<vmem>> -> memref<125xi32, #tpu.memory_space<vmem>>
      %dma_wait3A_150 = arith.constant 0 : i32
      %dma_wait3A_151 = arith.constant 0 : i32
      %dma_wait3A_152 = tpu.memref_slice %arg10[%dma_wait3A_150, %dma_wait3A_151] : memref<10240x128xf32, #tpu.memory_space<vmem_shared>> -> memref<10240x128xf32, #tpu.memory_space<vmem_shared>>
      %dma_wait3A_153 = tpu.memref_slice %arg12[%dma_wait3A_146] : memref<2x!tpu.dma_semaphore, #tpu.memory_space<semaphore_mem>> -> memref<1x!tpu.dma_semaphore, #tpu.memory_space<semaphore_mem>>
      %dma_wait3A_154 = tpu.memref_squeeze %dma_wait3A_153 : memref<1x!tpu.dma_semaphore, #tpu.memory_space<semaphore_mem>> -> memref<!tpu.dma_semaphore, #tpu.memory_space<semaphore_mem>>
      tpu.wait_indirect_dma semaphore(%dma_wait3A_154 : memref<!tpu.dma_semaphore, #tpu.memory_space<semaphore_mem>>) src(%arg9 : memref<125x128xf32, #tpu.memory_space<vmem>>) dst(%dma_wait3A_152 : memref<10240x128xf32, #tpu.memory_space<vmem_shared>>)
      %lt3A_155 = arith.constant 40 : i32
      %lt3A_156 = arith.cmpi slt, %add3A_145, %lt3A_155 : i32
      %convert_element_type3A_157 = arith.extui %lt3A_156 : i1 to i32
      %cond3A_158 = arith.constant 0 : i32
      %cond3A_159 = arith.cmpi ne, %convert_element_type3A_157, %cond3A_158 : i32
      scf.if %cond3A_159 {
        %dma_start3A_160 = arith.constant 1 : i32
        %dma_start3A_161 = arith.constant 0 : i32
        %dma_start3A_162 = tpu.memref_slice %arg6[%add3A_145, %dma_start3A_161] : memref<40x125xi32, #tpu.memory_space<vmem>> -> memref<1x125xi32, #tpu.memory_space<vmem>>
        %dma_start3A_163 = tpu.memref_squeeze %dma_start3A_162 : memref<1x125xi32, #tpu.memory_space<vmem>> -> memref<125xi32, #tpu.memory_space<vmem>>
        %dma_start3A_164 = arith.constant 0 : i32
        %dma_start3A_165 = arith.constant 0 : i32
        %dma_start3A_166 = tpu.memref_slice %arg2[%dma_start3A_164, %dma_start3A_165] : memref<20480x128xf32, #tpu.memory_space<hbm>> -> memref<20480x128xf32, #tpu.memory_space<hbm>>
        %dma_start3A_167 = tpu.memref_slice %arg11[%dma_start3A_160] : memref<2x!tpu.dma_semaphore, #tpu.memory_space<semaphore_mem>> -> memref<1x!tpu.dma_semaphore, #tpu.memory_space<semaphore_mem>>
        %dma_start3A_168 = tpu.memref_squeeze %dma_start3A_167 : memref<1x!tpu.dma_semaphore, #tpu.memory_space<semaphore_mem>> -> memref<!tpu.dma_semaphore, #tpu.memory_space<semaphore_mem>>
        tpu.enqueue_indirect_dma source(%dma_start3A_166 : memref<20480x128xf32, #tpu.memory_space<hbm>>) target(%arg9 : memref<125x128xf32, #tpu.memory_space<vmem>>) offsets(%dma_start3A_163 : memref<125xi32, #tpu.memory_space<vmem>>) semaphore(%dma_start3A_168 : memref<!tpu.dma_semaphore, #tpu.memory_space<semaphore_mem>>)
      } else {
      }
    }
    %scan3A_74 = arith.constant 20 : i32
    %barrier3A_75 = arith.constant 0 : index
    tpu.barrier barrier_id(%barrier3A_75)
    %mul3A_76 = arith.constant 10240 : i32
    %mul3A_77 = arith.muli %arg0, %mul3A_76 : i32
    %add3A_78 = arith.addi %mul3A_77, %mul3A_0 : i32
    "tpu.region"() ({
      %run_scoped3A = tpu.sem_alloc : memref<!tpu.dma_semaphore, #tpu.memory_space<semaphore_mem>>
      %dma_start3A_79 = arith.constant 0 : i32
      %dma_start3A_80 = tpu.memref_slice %arg5[%add3A_78, %dma_start3A_79] : memref<20480x128xf32, #tpu.memory_space<hbm>> -> memref<640x128xf32, #tpu.memory_space<hbm>>
      %dma_start3A_81 = arith.constant 0 : i32
      %dma_start3A_82 = tpu.memref_slice %arg10[%mul3A_0, %dma_start3A_81] : memref<10240x128xf32, #tpu.memory_space<vmem_shared>> -> memref<640x128xf32, #tpu.memory_space<vmem_shared>>
      tpu.enqueue_dma source(%dma_start3A_82 : memref<640x128xf32, #tpu.memory_space<vmem_shared>>) target(%dma_start3A_80 : memref<640x128xf32, #tpu.memory_space<hbm>>) target_semaphore(%run_scoped3A : memref<!tpu.dma_semaphore, #tpu.memory_space<semaphore_mem>>)
      %dma_wait3A = arith.constant 0 : i32
      %dma_wait3A_83 = tpu.memref_slice %arg5[%add3A_78, %dma_wait3A] : memref<20480x128xf32, #tpu.memory_space<hbm>> -> memref<640x128xf32, #tpu.memory_space<hbm>>
      %dma_wait3A_84 = arith.constant 0 : i32
      %dma_wait3A_85 = tpu.memref_slice %arg10[%mul3A_0, %dma_wait3A_84] : memref<10240x128xf32, #tpu.memory_space<vmem_shared>> -> memref<640x128xf32, #tpu.memory_space<vmem_shared>>
      tpu.wait_dma2 semaphore(%run_scoped3A : memref<!tpu.dma_semaphore, #tpu.memory_space<semaphore_mem>>) src(%dma_wait3A_85 : memref<640x128xf32, #tpu.memory_space<vmem_shared>>) dst(%dma_wait3A_83 : memref<640x128xf32, #tpu.memory_space<hbm>>)
      tpu.yield
    }) : () -> ()
    return
  }
}

#map = affine_map<(d0, d1) -> (0, 0)>
module attributes {stable_mosaic.version = 14 : i64} {
  func.func @scat_kernel(%arg0: i32, %arg1: i32, %arg2: memref<20480x128xf32, #tpu.memory_space<hbm>>, %arg3: memref<2560x125xi32, #tpu.memory_space<hbm>>, %arg4: memref<1280x125xi32, #tpu.memory_space<hbm>>, %arg5: memref<20480x128xf32, #tpu.memory_space<hbm>>, %arg6: memref<40x125xi32, #tpu.memory_space<vmem>>, %arg7: memref<40x125xi32, #tpu.memory_space<vmem>>, %arg8: memref<125x128xf32, #tpu.memory_space<vmem>>, %arg9: memref<125x128xf32, #tpu.memory_space<vmem>>, %arg10: memref<10240x128xf32, #tpu.memory_space<vmem_shared>>, %arg11: memref<2x!tpu.dma_semaphore, #tpu.memory_space<semaphore_mem>>, %arg12: memref<2x!tpu.dma_semaphore, #tpu.memory_space<semaphore_mem>>) attributes {dimension_semantics = [#tpu.dimension_semantics<core_parallel>, #tpu.dimension_semantics<subcore_parallel>], iteration_bounds = array<i64: 2, 16>, scalar_prefetch = 0 : i64, scratch_operands = 7 : i64, tpu.core_type = #tpu.core_type<sc_vector_subcore>, window_params = [{transform_indices = #map}, {transform_indices = #map}, {transform_indices = #map}, {transform_indices = #map}]} {
    %mul3A = arith.constant 640 : i32
    %mul3A_0 = arith.muli %arg1, %mul3A : i32
    %mul3A_1 = arith.constant 10240 : i32
    %mul3A_2 = arith.muli %arg0, %mul3A_1 : i32
    %add3A = arith.addi %mul3A_2, %mul3A_0 : i32
    "tpu.region"() ({
      %run_scoped3A = tpu.sem_alloc : memref<!tpu.dma_semaphore, #tpu.memory_space<semaphore_mem>>
      %dma_start3A_79 = arith.constant 0 : i32
      %dma_start3A_80 = tpu.memref_slice %arg10[%mul3A_0, %dma_start3A_79] : memref<10240x128xf32, #tpu.memory_space<vmem_shared>> -> memref<640x128xf32, #tpu.memory_space<vmem_shared>>
      %dma_start3A_81 = arith.constant 0 : i32
      %dma_start3A_82 = tpu.memref_slice %arg2[%add3A, %dma_start3A_81] : memref<20480x128xf32, #tpu.memory_space<hbm>> -> memref<640x128xf32, #tpu.memory_space<hbm>>
      tpu.enqueue_dma source(%dma_start3A_82 : memref<640x128xf32, #tpu.memory_space<hbm>>) target(%dma_start3A_80 : memref<640x128xf32, #tpu.memory_space<vmem_shared>>) target_semaphore(%run_scoped3A : memref<!tpu.dma_semaphore, #tpu.memory_space<semaphore_mem>>)
      %dma_wait3A = arith.constant 0 : i32
      %dma_wait3A_83 = tpu.memref_slice %arg10[%mul3A_0, %dma_wait3A] : memref<10240x128xf32, #tpu.memory_space<vmem_shared>> -> memref<640x128xf32, #tpu.memory_space<vmem_shared>>
      %dma_wait3A_84 = arith.constant 0 : i32
      %dma_wait3A_85 = tpu.memref_slice %arg2[%add3A, %dma_wait3A_84] : memref<20480x128xf32, #tpu.memory_space<hbm>> -> memref<640x128xf32, #tpu.memory_space<hbm>>
      tpu.wait_dma2 semaphore(%run_scoped3A : memref<!tpu.dma_semaphore, #tpu.memory_space<semaphore_mem>>) src(%dma_wait3A_85 : memref<640x128xf32, #tpu.memory_space<hbm>>) dst(%dma_wait3A_83 : memref<640x128xf32, #tpu.memory_space<vmem_shared>>)
      tpu.yield
    }) : () -> ()
    %barrier3A = arith.constant 0 : index
    tpu.barrier barrier_id(%barrier3A)
    %mul3A_3 = arith.constant 1280 : i32
    %mul3A_4 = arith.muli %arg0, %mul3A_3 : i32
    %mul3A_5 = arith.constant 80 : i32
    %mul3A_6 = arith.muli %arg1, %mul3A_5 : i32
    %add3A_7 = arith.addi %mul3A_4, %mul3A_6 : i32
    %add3A_8 = arith.constant 0 : i32
    %add3A_9 = arith.addi %add3A_7, %add3A_8 : i32
    "tpu.region"() ({
      %run_scoped3A = tpu.sem_alloc : memref<!tpu.dma_semaphore, #tpu.memory_space<semaphore_mem>>
      %dma_start3A_79 = arith.constant 0 : i32
      %dma_start3A_80 = tpu.memref_slice %arg3[%add3A_9, %dma_start3A_79] : memref<2560x125xi32, #tpu.memory_space<hbm>> -> memref<40x125xi32, #tpu.memory_space<hbm>>
      %dma_start3A_81 = arith.constant 0 : i32
      %dma_start3A_82 = tpu.memref_slice %arg3[%add3A_9, %dma_start3A_81] : memref<2560x125xi32, #tpu.memory_space<hbm>> -> memref<40x125xi32, #tpu.memory_space<hbm>>
      tpu.enqueue_dma source(%dma_start3A_82 : memref<40x125xi32, #tpu.memory_space<hbm>>) target(%arg6 : memref<40x125xi32, #tpu.memory_space<vmem>>) target_semaphore(%run_scoped3A : memref<!tpu.dma_semaphore, #tpu.memory_space<semaphore_mem>>)
      %dma_wait3A = arith.constant 0 : i32
      %dma_wait3A_83 = tpu.memref_slice %arg3[%add3A_9, %dma_wait3A] : memref<2560x125xi32, #tpu.memory_space<hbm>> -> memref<40x125xi32, #tpu.memory_space<hbm>>
      %dma_wait3A_84 = arith.constant 0 : i32
      %dma_wait3A_85 = tpu.memref_slice %arg3[%add3A_9, %dma_wait3A_84] : memref<2560x125xi32, #tpu.memory_space<hbm>> -> memref<40x125xi32, #tpu.memory_space<hbm>>
      tpu.wait_dma2 semaphore(%run_scoped3A : memref<!tpu.dma_semaphore, #tpu.memory_space<semaphore_mem>>) src(%dma_wait3A_85 : memref<40x125xi32, #tpu.memory_space<hbm>>) dst(%arg6 : memref<40x125xi32, #tpu.memory_space<vmem>>)
      tpu.yield
    }) : () -> ()
    %mul3A_10 = arith.constant 80 : i32
    %mul3A_11 = arith.muli %arg1, %mul3A_10 : i32
    %add3A_12 = arith.constant 0 : i32
    %add3A_13 = arith.addi %mul3A_11, %add3A_12 : i32
    "tpu.region"() ({
      %run_scoped3A = tpu.sem_alloc : memref<!tpu.dma_semaphore, #tpu.memory_space<semaphore_mem>>
      %dma_start3A_79 = arith.constant 0 : i32
      %dma_start3A_80 = tpu.memref_slice %arg4[%add3A_13, %dma_start3A_79] : memref<1280x125xi32, #tpu.memory_space<hbm>> -> memref<40x125xi32, #tpu.memory_space<hbm>>
      %dma_start3A_81 = arith.constant 0 : i32
      %dma_start3A_82 = tpu.memref_slice %arg4[%add3A_13, %dma_start3A_81] : memref<1280x125xi32, #tpu.memory_space<hbm>> -> memref<40x125xi32, #tpu.memory_space<hbm>>
      tpu.enqueue_dma source(%dma_start3A_82 : memref<40x125xi32, #tpu.memory_space<hbm>>) target(%arg7 : memref<40x125xi32, #tpu.memory_space<vmem>>) target_semaphore(%run_scoped3A : memref<!tpu.dma_semaphore, #tpu.memory_space<semaphore_mem>>)
      %dma_wait3A = arith.constant 0 : i32
      %dma_wait3A_83 = tpu.memref_slice %arg4[%add3A_13, %dma_wait3A] : memref<1280x125xi32, #tpu.memory_space<hbm>> -> memref<40x125xi32, #tpu.memory_space<hbm>>
      %dma_wait3A_84 = arith.constant 0 : i32
      %dma_wait3A_85 = tpu.memref_slice %arg4[%add3A_13, %dma_wait3A_84] : memref<1280x125xi32, #tpu.memory_space<hbm>> -> memref<40x125xi32, #tpu.memory_space<hbm>>
      tpu.wait_dma2 semaphore(%run_scoped3A : memref<!tpu.dma_semaphore, #tpu.memory_space<semaphore_mem>>) src(%dma_wait3A_85 : memref<40x125xi32, #tpu.memory_space<hbm>>) dst(%arg7 : memref<40x125xi32, #tpu.memory_space<vmem>>)
      tpu.yield
    }) : () -> ()
    %dma_start3A = arith.constant 0 : i32
    %dma_start3A_14 = arith.constant 0 : i32
    %dma_start3A_15 = arith.constant 0 : i32
    %dma_start3A_16 = tpu.memref_slice %arg6[%dma_start3A, %dma_start3A_15] : memref<40x125xi32, #tpu.memory_space<vmem>> -> memref<1x125xi32, #tpu.memory_space<vmem>>
    %dma_start3A_17 = tpu.memref_squeeze %dma_start3A_16 : memref<1x125xi32, #tpu.memory_space<vmem>> -> memref<125xi32, #tpu.memory_space<vmem>>
    %dma_start3A_18 = arith.constant 0 : i32
    %dma_start3A_19 = arith.constant 0 : i32
    %dma_start3A_20 = tpu.memref_slice %arg2[%dma_start3A_18, %dma_start3A_19] : memref<20480x128xf32, #tpu.memory_space<hbm>> -> memref<20480x128xf32, #tpu.memory_space<hbm>>
    %dma_start3A_21 = tpu.memref_slice %arg11[%dma_start3A_14] : memref<2x!tpu.dma_semaphore, #tpu.memory_space<semaphore_mem>> -> memref<1x!tpu.dma_semaphore, #tpu.memory_space<semaphore_mem>>
    %dma_start3A_22 = tpu.memref_squeeze %dma_start3A_21 : memref<1x!tpu.dma_semaphore, #tpu.memory_space<semaphore_mem>> -> memref<!tpu.dma_semaphore, #tpu.memory_space<semaphore_mem>>
    tpu.enqueue_indirect_dma source(%dma_start3A_20 : memref<20480x128xf32, #tpu.memory_space<hbm>>) target(%arg8 : memref<125x128xf32, #tpu.memory_space<vmem>>) offsets(%dma_start3A_17 : memref<125xi32, #tpu.memory_space<vmem>>) semaphore(%dma_start3A_22 : memref<!tpu.dma_semaphore, #tpu.memory_space<semaphore_mem>>)
    %dma_start3A_23 = arith.constant 1 : i32
    %dma_start3A_24 = arith.constant 1 : i32
    %dma_start3A_25 = arith.constant 0 : i32
    %dma_start3A_26 = tpu.memref_slice %arg6[%dma_start3A_23, %dma_start3A_25] : memref<40x125xi32, #tpu.memory_space<vmem>> -> memref<1x125xi32, #tpu.memory_space<vmem>>
    %dma_start3A_27 = tpu.memref_squeeze %dma_start3A_26 : memref<1x125xi32, #tpu.memory_space<vmem>> -> memref<125xi32, #tpu.memory_space<vmem>>
    %dma_start3A_28 = arith.constant 0 : i32
    %dma_start3A_29 = arith.constant 0 : i32
    %dma_start3A_30 = tpu.memref_slice %arg2[%dma_start3A_28, %dma_start3A_29] : memref<20480x128xf32, #tpu.memory_space<hbm>> -> memref<20480x128xf32, #tpu.memory_space<hbm>>
    %dma_start3A_31 = tpu.memref_slice %arg11[%dma_start3A_24] : memref<2x!tpu.dma_semaphore, #tpu.memory_space<semaphore_mem>> -> memref<1x!tpu.dma_semaphore, #tpu.memory_space<semaphore_mem>>
    %dma_start3A_32 = tpu.memref_squeeze %dma_start3A_31 : memref<1x!tpu.dma_semaphore, #tpu.memory_space<semaphore_mem>> -> memref<!tpu.dma_semaphore, #tpu.memory_space<semaphore_mem>>
    tpu.enqueue_indirect_dma source(%dma_start3A_30 : memref<20480x128xf32, #tpu.memory_space<hbm>>) target(%arg9 : memref<125x128xf32, #tpu.memory_space<vmem>>) offsets(%dma_start3A_27 : memref<125xi32, #tpu.memory_space<vmem>>) semaphore(%dma_start3A_32 : memref<!tpu.dma_semaphore, #tpu.memory_space<semaphore_mem>>)
    %scan3A = arith.constant 0 : i32
    %scan3A_33 = arith.constant 0 : i32
    %scan3A_34 = arith.constant 20 : i32
    %scan3A_35 = arith.addi %scan3A_33, %scan3A_34 : i32
    %scan3A_36 = arith.constant 1 : i32
    scf.for %scan3A_79 = %scan3A_33 to %scan3A_35 step %scan3A_36  : i32 {
      %mul3A_80 = arith.constant 2 : i32
      %mul3A_81 = arith.muli %scan3A_79, %mul3A_80 : i32
      %add3A_82 = arith.constant 0 : i32
      %add3A_83 = arith.addi %mul3A_81, %add3A_82 : i32
      %dma_wait3A = arith.constant 0 : i32
      %dma_wait3A_84 = arith.constant 0 : i32
      %dma_wait3A_85 = tpu.memref_slice %arg6[%add3A_83, %dma_wait3A_84] : memref<40x125xi32, #tpu.memory_space<vmem>> -> memref<1x125xi32, #tpu.memory_space<vmem>>
      %dma_wait3A_86 = tpu.memref_squeeze %dma_wait3A_85 : memref<1x125xi32, #tpu.memory_space<vmem>> -> memref<125xi32, #tpu.memory_space<vmem>>
      %dma_wait3A_87 = arith.constant 0 : i32
      %dma_wait3A_88 = arith.constant 0 : i32
      %dma_wait3A_89 = tpu.memref_slice %arg2[%dma_wait3A_87, %dma_wait3A_88] : memref<20480x128xf32, #tpu.memory_space<hbm>> -> memref<20480x128xf32, #tpu.memory_space<hbm>>
      %dma_wait3A_90 = tpu.memref_slice %arg11[%dma_wait3A] : memref<2x!tpu.dma_semaphore, #tpu.memory_space<semaphore_mem>> -> memref<1x!tpu.dma_semaphore, #tpu.memory_space<semaphore_mem>>
      %dma_wait3A_91 = tpu.memref_squeeze %dma_wait3A_90 : memref<1x!tpu.dma_semaphore, #tpu.memory_space<semaphore_mem>> -> memref<!tpu.dma_semaphore, #tpu.memory_space<semaphore_mem>>
      tpu.wait_indirect_dma semaphore(%dma_wait3A_91 : memref<!tpu.dma_semaphore, #tpu.memory_space<semaphore_mem>>) src(%dma_wait3A_89 : memref<20480x128xf32, #tpu.memory_space<hbm>>) dst(%arg8 : memref<125x128xf32, #tpu.memory_space<vmem>>)
      %dma_start3A_92 = arith.constant 0 : i32
      %dma_start3A_93 = arith.constant 0 : i32
      %dma_start3A_94 = tpu.memref_slice %arg7[%add3A_83, %dma_start3A_93] : memref<40x125xi32, #tpu.memory_space<vmem>> -> memref<1x125xi32, #tpu.memory_space<vmem>>
      %dma_start3A_95 = tpu.memref_squeeze %dma_start3A_94 : memref<1x125xi32, #tpu.memory_space<vmem>> -> memref<125xi32, #tpu.memory_space<vmem>>
      %dma_start3A_96 = arith.constant 0 : i32
      %dma_start3A_97 = arith.constant 0 : i32
      %dma_start3A_98 = tpu.memref_slice %arg10[%dma_start3A_96, %dma_start3A_97] : memref<10240x128xf32, #tpu.memory_space<vmem_shared>> -> memref<10240x128xf32, #tpu.memory_space<vmem_shared>>
      %dma_start3A_99 = tpu.memref_slice %arg12[%dma_start3A_92] : memref<2x!tpu.dma_semaphore, #tpu.memory_space<semaphore_mem>> -> memref<1x!tpu.dma_semaphore, #tpu.memory_space<semaphore_mem>>
      %dma_start3A_100 = tpu.memref_squeeze %dma_start3A_99 : memref<1x!tpu.dma_semaphore, #tpu.memory_space<semaphore_mem>> -> memref<!tpu.dma_semaphore, #tpu.memory_space<semaphore_mem>>
      tpu.enqueue_indirect_dma source(%arg8 : memref<125x128xf32, #tpu.memory_space<vmem>>) target(%dma_start3A_98 : memref<10240x128xf32, #tpu.memory_space<vmem_shared>>) offsets(%dma_start3A_95 : memref<125xi32, #tpu.memory_space<vmem>>) semaphore(%dma_start3A_100 : memref<!tpu.dma_semaphore, #tpu.memory_space<semaphore_mem>>) {add = true}
      %mul3A_101 = arith.constant 2 : i32
      %mul3A_102 = arith.muli %scan3A_79, %mul3A_101 : i32
      %add3A_103 = arith.constant 1 : i32
      %add3A_104 = arith.addi %mul3A_102, %add3A_103 : i32
      %dma_wait3A_105 = arith.constant 1 : i32
      %dma_wait3A_106 = arith.constant 0 : i32
      %dma_wait3A_107 = tpu.memref_slice %arg6[%add3A_104, %dma_wait3A_106] : memref<40x125xi32, #tpu.memory_space<vmem>> -> memref<1x125xi32, #tpu.memory_space<vmem>>
      %dma_wait3A_108 = tpu.memref_squeeze %dma_wait3A_107 : memref<1x125xi32, #tpu.memory_space<vmem>> -> memref<125xi32, #tpu.memory_space<vmem>>
      %dma_wait3A_109 = arith.constant 0 : i32
      %dma_wait3A_110 = arith.constant 0 : i32
      %dma_wait3A_111 = tpu.memref_slice %arg2[%dma_wait3A_109, %dma_wait3A_110] : memref<20480x128xf32, #tpu.memory_space<hbm>> -> memref<20480x128xf32, #tpu.memory_space<hbm>>
      %dma_wait3A_112 = tpu.memref_slice %arg11[%dma_wait3A_105] : memref<2x!tpu.dma_semaphore, #tpu.memory_space<semaphore_mem>> -> memref<1x!tpu.dma_semaphore, #tpu.memory_space<semaphore_mem>>
      %dma_wait3A_113 = tpu.memref_squeeze %dma_wait3A_112 : memref<1x!tpu.dma_semaphore, #tpu.memory_space<semaphore_mem>> -> memref<!tpu.dma_semaphore, #tpu.memory_space<semaphore_mem>>
      tpu.wait_indirect_dma semaphore(%dma_wait3A_113 : memref<!tpu.dma_semaphore, #tpu.memory_space<semaphore_mem>>) src(%dma_wait3A_111 : memref<20480x128xf32, #tpu.memory_space<hbm>>) dst(%arg9 : memref<125x128xf32, #tpu.memory_space<vmem>>)
      %dma_start3A_114 = arith.constant 1 : i32
      %dma_start3A_115 = arith.constant 0 : i32
      %dma_start3A_116 = tpu.memref_slice %arg7[%add3A_104, %dma_start3A_115] : memref<40x125xi32, #tpu.memory_space<vmem>> -> memref<1x125xi32, #tpu.memory_space<vmem>>
      %dma_start3A_117 = tpu.memref_squeeze %dma_start3A_116 : memref<1x125xi32, #tpu.memory_space<vmem>> -> memref<125xi32, #tpu.memory_space<vmem>>
      %dma_start3A_118 = arith.constant 0 : i32
      %dma_start3A_119 = arith.constant 0 : i32
      %dma_start3A_120 = tpu.memref_slice %arg10[%dma_start3A_118, %dma_start3A_119] : memref<10240x128xf32, #tpu.memory_space<vmem_shared>> -> memref<10240x128xf32, #tpu.memory_space<vmem_shared>>
      %dma_start3A_121 = tpu.memref_slice %arg12[%dma_start3A_114] : memref<2x!tpu.dma_semaphore, #tpu.memory_space<semaphore_mem>> -> memref<1x!tpu.dma_semaphore, #tpu.memory_space<semaphore_mem>>
      %dma_start3A_122 = tpu.memref_squeeze %dma_start3A_121 : memref<1x!tpu.dma_semaphore, #tpu.memory_space<semaphore_mem>> -> memref<!tpu.dma_semaphore, #tpu.memory_space<semaphore_mem>>
      tpu.enqueue_indirect_dma source(%arg9 : memref<125x128xf32, #tpu.memory_space<vmem>>) target(%dma_start3A_120 : memref<10240x128xf32, #tpu.memory_space<vmem_shared>>) offsets(%dma_start3A_117 : memref<125xi32, #tpu.memory_space<vmem>>) semaphore(%dma_start3A_122 : memref<!tpu.dma_semaphore, #tpu.memory_space<semaphore_mem>>) {add = true}
      %mul3A_123 = arith.constant 2 : i32
      %mul3A_124 = arith.muli %scan3A_79, %mul3A_123 : i32
      %add3A_125 = arith.constant 0 : i32
      %add3A_126 = arith.addi %mul3A_124, %add3A_125 : i32
      %add3A_127 = arith.constant 2 : i32
      %add3A_128 = arith.addi %add3A_126, %add3A_127 : i32
      %dma_wait3A_129 = arith.constant 0 : i32
      %dma_wait3A_130 = arith.constant 0 : i32
      %dma_wait3A_131 = tpu.memref_slice %arg7[%add3A_126, %dma_wait3A_130] : memref<40x125xi32, #tpu.memory_space<vmem>> -> memref<1x125xi32, #tpu.memory_space<vmem>>
      %dma_wait3A_132 = tpu.memref_squeeze %dma_wait3A_131 : memref<1x125xi32, #tpu.memory_space<vmem>> -> memref<125xi32, #tpu.memory_space<vmem>>
      %dma_wait3A_133 = arith.constant 0 : i32
      %dma_wait3A_134 = arith.constant 0 : i32
      %dma_wait3A_135 = tpu.memref_slice %arg10[%dma_wait3A_133, %dma_wait3A_134] : memref<10240x128xf32, #tpu.memory_space<vmem_shared>> -> memref<10240x128xf32, #tpu.memory_space<vmem_shared>>
      %dma_wait3A_136 = tpu.memref_slice %arg12[%dma_wait3A_129] : memref<2x!tpu.dma_semaphore, #tpu.memory_space<semaphore_mem>> -> memref<1x!tpu.dma_semaphore, #tpu.memory_space<semaphore_mem>>
      %dma_wait3A_137 = tpu.memref_squeeze %dma_wait3A_136 : memref<1x!tpu.dma_semaphore, #tpu.memory_space<semaphore_mem>> -> memref<!tpu.dma_semaphore, #tpu.memory_space<semaphore_mem>>
      tpu.wait_indirect_dma semaphore(%dma_wait3A_137 : memref<!tpu.dma_semaphore, #tpu.memory_space<semaphore_mem>>) src(%arg8 : memref<125x128xf32, #tpu.memory_space<vmem>>) dst(%dma_wait3A_135 : memref<10240x128xf32, #tpu.memory_space<vmem_shared>>)
      %lt3A = arith.constant 40 : i32
      %lt3A_138 = arith.cmpi slt, %add3A_128, %lt3A : i32
      %convert_element_type3A = arith.extui %lt3A_138 : i1 to i32
      %cond3A = arith.constant 0 : i32
      %cond3A_139 = arith.cmpi ne, %convert_element_type3A, %cond3A : i32
      scf.if %cond3A_139 {
        %dma_start3A_160 = arith.constant 0 : i32
        %dma_start3A_161 = arith.constant 0 : i32
        %dma_start3A_162 = tpu.memref_slice %arg6[%add3A_128, %dma_start3A_161] : memref<40x125xi32, #tpu.memory_space<vmem>> -> memref<1x125xi32, #tpu.memory_space<vmem>>
        %dma_start3A_163 = tpu.memref_squeeze %dma_start3A_162 : memref<1x125xi32, #tpu.memory_space<vmem>> -> memref<125xi32, #tpu.memory_space<vmem>>
        %dma_start3A_164 = arith.constant 0 : i32
        %dma_start3A_165 = arith.constant 0 : i32
        %dma_start3A_166 = tpu.memref_slice %arg2[%dma_start3A_164, %dma_start3A_165] : memref<20480x128xf32, #tpu.memory_space<hbm>> -> memref<20480x128xf32, #tpu.memory_space<hbm>>
        %dma_start3A_167 = tpu.memref_slice %arg11[%dma_start3A_160] : memref<2x!tpu.dma_semaphore, #tpu.memory_space<semaphore_mem>> -> memref<1x!tpu.dma_semaphore, #tpu.memory_space<semaphore_mem>>
        %dma_start3A_168 = tpu.memref_squeeze %dma_start3A_167 : memref<1x!tpu.dma_semaphore, #tpu.memory_space<semaphore_mem>> -> memref<!tpu.dma_semaphore, #tpu.memory_space<semaphore_mem>>
        tpu.enqueue_indirect_dma source(%dma_start3A_166 : memref<20480x128xf32, #tpu.memory_space<hbm>>) target(%arg8 : memref<125x128xf32, #tpu.memory_space<vmem>>) offsets(%dma_start3A_163 : memref<125xi32, #tpu.memory_space<vmem>>) semaphore(%dma_start3A_168 : memref<!tpu.dma_semaphore, #tpu.memory_space<semaphore_mem>>)
      } else {
      }
      %mul3A_140 = arith.constant 2 : i32
      %mul3A_141 = arith.muli %scan3A_79, %mul3A_140 : i32
      %add3A_142 = arith.constant 1 : i32
      %add3A_143 = arith.addi %mul3A_141, %add3A_142 : i32
      %add3A_144 = arith.constant 2 : i32
      %add3A_145 = arith.addi %add3A_143, %add3A_144 : i32
      %dma_wait3A_146 = arith.constant 1 : i32
      %dma_wait3A_147 = arith.constant 0 : i32
      %dma_wait3A_148 = tpu.memref_slice %arg7[%add3A_143, %dma_wait3A_147] : memref<40x125xi32, #tpu.memory_space<vmem>> -> memref<1x125xi32, #tpu.memory_space<vmem>>
      %dma_wait3A_149 = tpu.memref_squeeze %dma_wait3A_148 : memref<1x125xi32, #tpu.memory_space<vmem>> -> memref<125xi32, #tpu.memory_space<vmem>>
      %dma_wait3A_150 = arith.constant 0 : i32
      %dma_wait3A_151 = arith.constant 0 : i32
      %dma_wait3A_152 = tpu.memref_slice %arg10[%dma_wait3A_150, %dma_wait3A_151] : memref<10240x128xf32, #tpu.memory_space<vmem_shared>> -> memref<10240x128xf32, #tpu.memory_space<vmem_shared>>
      %dma_wait3A_153 = tpu.memref_slice %arg12[%dma_wait3A_146] : memref<2x!tpu.dma_semaphore, #tpu.memory_space<semaphore_mem>> -> memref<1x!tpu.dma_semaphore, #tpu.memory_space<semaphore_mem>>
      %dma_wait3A_154 = tpu.memref_squeeze %dma_wait3A_153 : memref<1x!tpu.dma_semaphore, #tpu.memory_space<semaphore_mem>> -> memref<!tpu.dma_semaphore, #tpu.memory_space<semaphore_mem>>
      tpu.wait_indirect_dma semaphore(%dma_wait3A_154 : memref<!tpu.dma_semaphore, #tpu.memory_space<semaphore_mem>>) src(%arg9 : memref<125x128xf32, #tpu.memory_space<vmem>>) dst(%dma_wait3A_152 : memref<10240x128xf32, #tpu.memory_space<vmem_shared>>)
      %lt3A_155 = arith.constant 40 : i32
      %lt3A_156 = arith.cmpi slt, %add3A_145, %lt3A_155 : i32
      %convert_element_type3A_157 = arith.extui %lt3A_156 : i1 to i32
      %cond3A_158 = arith.constant 0 : i32
      %cond3A_159 = arith.cmpi ne, %convert_element_type3A_157, %cond3A_158 : i32
      scf.if %cond3A_159 {
        %dma_start3A_160 = arith.constant 1 : i32
        %dma_start3A_161 = arith.constant 0 : i32
        %dma_start3A_162 = tpu.memref_slice %arg6[%add3A_145, %dma_start3A_161] : memref<40x125xi32, #tpu.memory_space<vmem>> -> memref<1x125xi32, #tpu.memory_space<vmem>>
        %dma_start3A_163 = tpu.memref_squeeze %dma_start3A_162 : memref<1x125xi32, #tpu.memory_space<vmem>> -> memref<125xi32, #tpu.memory_space<vmem>>
        %dma_start3A_164 = arith.constant 0 : i32
        %dma_start3A_165 = arith.constant 0 : i32
        %dma_start3A_166 = tpu.memref_slice %arg2[%dma_start3A_164, %dma_start3A_165] : memref<20480x128xf32, #tpu.memory_space<hbm>> -> memref<20480x128xf32, #tpu.memory_space<hbm>>
        %dma_start3A_167 = tpu.memref_slice %arg11[%dma_start3A_160] : memref<2x!tpu.dma_semaphore, #tpu.memory_space<semaphore_mem>> -> memref<1x!tpu.dma_semaphore, #tpu.memory_space<semaphore_mem>>
        %dma_start3A_168 = tpu.memref_squeeze %dma_start3A_167 : memref<1x!tpu.dma_semaphore, #tpu.memory_space<semaphore_mem>> -> memref<!tpu.dma_semaphore, #tpu.memory_space<semaphore_mem>>
        tpu.enqueue_indirect_dma source(%dma_start3A_166 : memref<20480x128xf32, #tpu.memory_space<hbm>>) target(%arg9 : memref<125x128xf32, #tpu.memory_space<vmem>>) offsets(%dma_start3A_163 : memref<125xi32, #tpu.memory_space<vmem>>) semaphore(%dma_start3A_168 : memref<!tpu.dma_semaphore, #tpu.memory_space<semaphore_mem>>)
      } else {
      }
    }
    %scan3A_37 = arith.constant 20 : i32
    %mul3A_38 = arith.constant 1280 : i32
    %mul3A_39 = arith.muli %arg0, %mul3A_38 : i32
    %mul3A_40 = arith.constant 80 : i32
    %mul3A_41 = arith.muli %arg1, %mul3A_40 : i32
    %add3A_42 = arith.addi %mul3A_39, %mul3A_41 : i32
    %add3A_43 = arith.constant 40 : i32
    %add3A_44 = arith.addi %add3A_42, %add3A_43 : i32
    "tpu.region"() ({
      %run_scoped3A = tpu.sem_alloc : memref<!tpu.dma_semaphore, #tpu.memory_space<semaphore_mem>>
      %dma_start3A_79 = arith.constant 0 : i32
      %dma_start3A_80 = tpu.memref_slice %arg3[%add3A_44, %dma_start3A_79] : memref<2560x125xi32, #tpu.memory_space<hbm>> -> memref<40x125xi32, #tpu.memory_space<hbm>>
      %dma_start3A_81 = arith.constant 0 : i32
      %dma_start3A_82 = tpu.memref_slice %arg3[%add3A_44, %dma_start3A_81] : memref<2560x125xi32, #tpu.memory_space<hbm>> -> memref<40x125xi32, #tpu.memory_space<hbm>>
      tpu.enqueue_dma source(%dma_start3A_82 : memref<40x125xi32, #tpu.memory_space<hbm>>) target(%arg6 : memref<40x125xi32, #tpu.memory_space<vmem>>) target_semaphore(%run_scoped3A : memref<!tpu.dma_semaphore, #tpu.memory_space<semaphore_mem>>)
      %dma_wait3A = arith.constant 0 : i32
      %dma_wait3A_83 = tpu.memref_slice %arg3[%add3A_44, %dma_wait3A] : memref<2560x125xi32, #tpu.memory_space<hbm>> -> memref<40x125xi32, #tpu.memory_space<hbm>>
      %dma_wait3A_84 = arith.constant 0 : i32
      %dma_wait3A_85 = tpu.memref_slice %arg3[%add3A_44, %dma_wait3A_84] : memref<2560x125xi32, #tpu.memory_space<hbm>> -> memref<40x125xi32, #tpu.memory_space<hbm>>
      tpu.wait_dma2 semaphore(%run_scoped3A : memref<!tpu.dma_semaphore, #tpu.memory_space<semaphore_mem>>) src(%dma_wait3A_85 : memref<40x125xi32, #tpu.memory_space<hbm>>) dst(%arg6 : memref<40x125xi32, #tpu.memory_space<vmem>>)
      tpu.yield
    }) : () -> ()
    %mul3A_45 = arith.constant 80 : i32
    %mul3A_46 = arith.muli %arg1, %mul3A_45 : i32
    %add3A_47 = arith.constant 40 : i32
    %add3A_48 = arith.addi %mul3A_46, %add3A_47 : i32
    "tpu.region"() ({
      %run_scoped3A = tpu.sem_alloc : memref<!tpu.dma_semaphore, #tpu.memory_space<semaphore_mem>>
      %dma_start3A_79 = arith.constant 0 : i32
      %dma_start3A_80 = tpu.memref_slice %arg4[%add3A_48, %dma_start3A_79] : memref<1280x125xi32, #tpu.memory_space<hbm>> -> memref<40x125xi32, #tpu.memory_space<hbm>>
      %dma_start3A_81 = arith.constant 0 : i32
      %dma_start3A_82 = tpu.memref_slice %arg4[%add3A_48, %dma_start3A_81] : memref<1280x125xi32, #tpu.memory_space<hbm>> -> memref<40x125xi32, #tpu.memory_space<hbm>>
      tpu.enqueue_dma source(%dma_start3A_82 : memref<40x125xi32, #tpu.memory_space<hbm>>) target(%arg7 : memref<40x125xi32, #tpu.memory_space<vmem>>) target_semaphore(%run_scoped3A : memref<!tpu.dma_semaphore, #tpu.memory_space<semaphore_mem>>)
      %dma_wait3A = arith.constant 0 : i32
      %dma_wait3A_83 = tpu.memref_slice %arg4[%add3A_48, %dma_wait3A] : memref<1280x125xi32, #tpu.memory_space<hbm>> -> memref<40x125xi32, #tpu.memory_space<hbm>>
      %dma_wait3A_84 = arith.constant 0 : i32
      %dma_wait3A_85 = tpu.memref_slice %arg4[%add3A_48, %dma_wait3A_84] : memref<1280x125xi32, #tpu.memory_space<hbm>> -> memref<40x125xi32, #tpu.memory_space<hbm>>
      tpu.wait_dma2 semaphore(%run_scoped3A : memref<!tpu.dma_semaphore, #tpu.memory_space<semaphore_mem>>) src(%dma_wait3A_85 : memref<40x125xi32, #tpu.memory_space<hbm>>) dst(%arg7 : memref<40x125xi32, #tpu.memory_space<vmem>>)
      tpu.yield
    }) : () -> ()
    %dma_start3A_49 = arith.constant 0 : i32
    %dma_start3A_50 = arith.constant 0 : i32
    %dma_start3A_51 = arith.constant 0 : i32
    %dma_start3A_52 = tpu.memref_slice %arg6[%dma_start3A_49, %dma_start3A_51] : memref<40x125xi32, #tpu.memory_space<vmem>> -> memref<1x125xi32, #tpu.memory_space<vmem>>
    %dma_start3A_53 = tpu.memref_squeeze %dma_start3A_52 : memref<1x125xi32, #tpu.memory_space<vmem>> -> memref<125xi32, #tpu.memory_space<vmem>>
    %dma_start3A_54 = arith.constant 0 : i32
    %dma_start3A_55 = arith.constant 0 : i32
    %dma_start3A_56 = tpu.memref_slice %arg2[%dma_start3A_54, %dma_start3A_55] : memref<20480x128xf32, #tpu.memory_space<hbm>> -> memref<20480x128xf32, #tpu.memory_space<hbm>>
    %dma_start3A_57 = tpu.memref_slice %arg11[%dma_start3A_50] : memref<2x!tpu.dma_semaphore, #tpu.memory_space<semaphore_mem>> -> memref<1x!tpu.dma_semaphore, #tpu.memory_space<semaphore_mem>>
    %dma_start3A_58 = tpu.memref_squeeze %dma_start3A_57 : memref<1x!tpu.dma_semaphore, #tpu.memory_space<semaphore_mem>> -> memref<!tpu.dma_semaphore, #tpu.memory_space<semaphore_mem>>
    tpu.enqueue_indirect_dma source(%dma_start3A_56 : memref<20480x128xf32, #tpu.memory_space<hbm>>) target(%arg8 : memref<125x128xf32, #tpu.memory_space<vmem>>) offsets(%dma_start3A_53 : memref<125xi32, #tpu.memory_space<vmem>>) semaphore(%dma_start3A_58 : memref<!tpu.dma_semaphore, #tpu.memory_space<semaphore_mem>>)
    %dma_start3A_59 = arith.constant 1 : i32
    %dma_start3A_60 = arith.constant 1 : i32
    %dma_start3A_61 = arith.constant 0 : i32
    %dma_start3A_62 = tpu.memref_slice %arg6[%dma_start3A_59, %dma_start3A_61] : memref<40x125xi32, #tpu.memory_space<vmem>> -> memref<1x125xi32, #tpu.memory_space<vmem>>
    %dma_start3A_63 = tpu.memref_squeeze %dma_start3A_62 : memref<1x125xi32, #tpu.memory_space<vmem>> -> memref<125xi32, #tpu.memory_space<vmem>>
    %dma_start3A_64 = arith.constant 0 : i32
    %dma_start3A_65 = arith.constant 0 : i32
    %dma_start3A_66 = tpu.memref_slice %arg2[%dma_start3A_64, %dma_start3A_65] : memref<20480x128xf32, #tpu.memory_space<hbm>> -> memref<20480x128xf32, #tpu.memory_space<hbm>>
    %dma_start3A_67 = tpu.memref_slice %arg11[%dma_start3A_60] : memref<2x!tpu.dma_semaphore, #tpu.memory_space<semaphore_mem>> -> memref<1x!tpu.dma_semaphore, #tpu.memory_space<semaphore_mem>>
    %dma_start3A_68 = tpu.memref_squeeze %dma_start3A_67 : memref<1x!tpu.dma_semaphore, #tpu.memory_space<semaphore_mem>> -> memref<!tpu.dma_semaphore, #tpu.memory_space<semaphore_mem>>
    tpu.enqueue_indirect_dma source(%dma_start3A_66 : memref<20480x128xf32, #tpu.memory_space<hbm>>) target(%arg9 : memref<125x128xf32, #tpu.memory_space<vmem>>) offsets(%dma_start3A_63 : memref<125xi32, #tpu.memory_space<vmem>>) semaphore(%dma_start3A_68 : memref<!tpu.dma_semaphore, #tpu.memory_space<semaphore_mem>>)
    %scan3A_69 = arith.constant 0 : i32
    %scan3A_70 = arith.constant 0 : i32
    %scan3A_71 = arith.constant 20 : i32
    %scan3A_72 = arith.addi %scan3A_70, %scan3A_71 : i32
    %scan3A_73 = arith.constant 1 : i32
    scf.for %scan3A_79 = %scan3A_70 to %scan3A_72 step %scan3A_73  : i32 {
      %mul3A_80 = arith.constant 2 : i32
      %mul3A_81 = arith.muli %scan3A_79, %mul3A_80 : i32
      %add3A_82 = arith.constant 0 : i32
      %add3A_83 = arith.addi %mul3A_81, %add3A_82 : i32
      %dma_wait3A = arith.constant 0 : i32
      %dma_wait3A_84 = arith.constant 0 : i32
      %dma_wait3A_85 = tpu.memref_slice %arg6[%add3A_83, %dma_wait3A_84] : memref<40x125xi32, #tpu.memory_space<vmem>> -> memref<1x125xi32, #tpu.memory_space<vmem>>
      %dma_wait3A_86 = tpu.memref_squeeze %dma_wait3A_85 : memref<1x125xi32, #tpu.memory_space<vmem>> -> memref<125xi32, #tpu.memory_space<vmem>>
      %dma_wait3A_87 = arith.constant 0 : i32
      %dma_wait3A_88 = arith.constant 0 : i32
      %dma_wait3A_89 = tpu.memref_slice %arg2[%dma_wait3A_87, %dma_wait3A_88] : memref<20480x128xf32, #tpu.memory_space<hbm>> -> memref<20480x128xf32, #tpu.memory_space<hbm>>
      %dma_wait3A_90 = tpu.memref_slice %arg11[%dma_wait3A] : memref<2x!tpu.dma_semaphore, #tpu.memory_space<semaphore_mem>> -> memref<1x!tpu.dma_semaphore, #tpu.memory_space<semaphore_mem>>
      %dma_wait3A_91 = tpu.memref_squeeze %dma_wait3A_90 : memref<1x!tpu.dma_semaphore, #tpu.memory_space<semaphore_mem>> -> memref<!tpu.dma_semaphore, #tpu.memory_space<semaphore_mem>>
      tpu.wait_indirect_dma semaphore(%dma_wait3A_91 : memref<!tpu.dma_semaphore, #tpu.memory_space<semaphore_mem>>) src(%dma_wait3A_89 : memref<20480x128xf32, #tpu.memory_space<hbm>>) dst(%arg8 : memref<125x128xf32, #tpu.memory_space<vmem>>)
      %dma_start3A_92 = arith.constant 0 : i32
      %dma_start3A_93 = arith.constant 0 : i32
      %dma_start3A_94 = tpu.memref_slice %arg7[%add3A_83, %dma_start3A_93] : memref<40x125xi32, #tpu.memory_space<vmem>> -> memref<1x125xi32, #tpu.memory_space<vmem>>
      %dma_start3A_95 = tpu.memref_squeeze %dma_start3A_94 : memref<1x125xi32, #tpu.memory_space<vmem>> -> memref<125xi32, #tpu.memory_space<vmem>>
      %dma_start3A_96 = arith.constant 0 : i32
      %dma_start3A_97 = arith.constant 0 : i32
      %dma_start3A_98 = tpu.memref_slice %arg10[%dma_start3A_96, %dma_start3A_97] : memref<10240x128xf32, #tpu.memory_space<vmem_shared>> -> memref<10240x128xf32, #tpu.memory_space<vmem_shared>>
      %dma_start3A_99 = tpu.memref_slice %arg12[%dma_start3A_92] : memref<2x!tpu.dma_semaphore, #tpu.memory_space<semaphore_mem>> -> memref<1x!tpu.dma_semaphore, #tpu.memory_space<semaphore_mem>>
      %dma_start3A_100 = tpu.memref_squeeze %dma_start3A_99 : memref<1x!tpu.dma_semaphore, #tpu.memory_space<semaphore_mem>> -> memref<!tpu.dma_semaphore, #tpu.memory_space<semaphore_mem>>
      tpu.enqueue_indirect_dma source(%arg8 : memref<125x128xf32, #tpu.memory_space<vmem>>) target(%dma_start3A_98 : memref<10240x128xf32, #tpu.memory_space<vmem_shared>>) offsets(%dma_start3A_95 : memref<125xi32, #tpu.memory_space<vmem>>) semaphore(%dma_start3A_100 : memref<!tpu.dma_semaphore, #tpu.memory_space<semaphore_mem>>) {add = true}
      %mul3A_101 = arith.constant 2 : i32
      %mul3A_102 = arith.muli %scan3A_79, %mul3A_101 : i32
      %add3A_103 = arith.constant 1 : i32
      %add3A_104 = arith.addi %mul3A_102, %add3A_103 : i32
      %dma_wait3A_105 = arith.constant 1 : i32
      %dma_wait3A_106 = arith.constant 0 : i32
      %dma_wait3A_107 = tpu.memref_slice %arg6[%add3A_104, %dma_wait3A_106] : memref<40x125xi32, #tpu.memory_space<vmem>> -> memref<1x125xi32, #tpu.memory_space<vmem>>
      %dma_wait3A_108 = tpu.memref_squeeze %dma_wait3A_107 : memref<1x125xi32, #tpu.memory_space<vmem>> -> memref<125xi32, #tpu.memory_space<vmem>>
      %dma_wait3A_109 = arith.constant 0 : i32
      %dma_wait3A_110 = arith.constant 0 : i32
      %dma_wait3A_111 = tpu.memref_slice %arg2[%dma_wait3A_109, %dma_wait3A_110] : memref<20480x128xf32, #tpu.memory_space<hbm>> -> memref<20480x128xf32, #tpu.memory_space<hbm>>
      %dma_wait3A_112 = tpu.memref_slice %arg11[%dma_wait3A_105] : memref<2x!tpu.dma_semaphore, #tpu.memory_space<semaphore_mem>> -> memref<1x!tpu.dma_semaphore, #tpu.memory_space<semaphore_mem>>
      %dma_wait3A_113 = tpu.memref_squeeze %dma_wait3A_112 : memref<1x!tpu.dma_semaphore, #tpu.memory_space<semaphore_mem>> -> memref<!tpu.dma_semaphore, #tpu.memory_space<semaphore_mem>>
      tpu.wait_indirect_dma semaphore(%dma_wait3A_113 : memref<!tpu.dma_semaphore, #tpu.memory_space<semaphore_mem>>) src(%dma_wait3A_111 : memref<20480x128xf32, #tpu.memory_space<hbm>>) dst(%arg9 : memref<125x128xf32, #tpu.memory_space<vmem>>)
      %dma_start3A_114 = arith.constant 1 : i32
      %dma_start3A_115 = arith.constant 0 : i32
      %dma_start3A_116 = tpu.memref_slice %arg7[%add3A_104, %dma_start3A_115] : memref<40x125xi32, #tpu.memory_space<vmem>> -> memref<1x125xi32, #tpu.memory_space<vmem>>
      %dma_start3A_117 = tpu.memref_squeeze %dma_start3A_116 : memref<1x125xi32, #tpu.memory_space<vmem>> -> memref<125xi32, #tpu.memory_space<vmem>>
      %dma_start3A_118 = arith.constant 0 : i32
      %dma_start3A_119 = arith.constant 0 : i32
      %dma_start3A_120 = tpu.memref_slice %arg10[%dma_start3A_118, %dma_start3A_119] : memref<10240x128xf32, #tpu.memory_space<vmem_shared>> -> memref<10240x128xf32, #tpu.memory_space<vmem_shared>>
      %dma_start3A_121 = tpu.memref_slice %arg12[%dma_start3A_114] : memref<2x!tpu.dma_semaphore, #tpu.memory_space<semaphore_mem>> -> memref<1x!tpu.dma_semaphore, #tpu.memory_space<semaphore_mem>>
      %dma_start3A_122 = tpu.memref_squeeze %dma_start3A_121 : memref<1x!tpu.dma_semaphore, #tpu.memory_space<semaphore_mem>> -> memref<!tpu.dma_semaphore, #tpu.memory_space<semaphore_mem>>
      tpu.enqueue_indirect_dma source(%arg9 : memref<125x128xf32, #tpu.memory_space<vmem>>) target(%dma_start3A_120 : memref<10240x128xf32, #tpu.memory_space<vmem_shared>>) offsets(%dma_start3A_117 : memref<125xi32, #tpu.memory_space<vmem>>) semaphore(%dma_start3A_122 : memref<!tpu.dma_semaphore, #tpu.memory_space<semaphore_mem>>) {add = true}
      %mul3A_123 = arith.constant 2 : i32
      %mul3A_124 = arith.muli %scan3A_79, %mul3A_123 : i32
      %add3A_125 = arith.constant 0 : i32
      %add3A_126 = arith.addi %mul3A_124, %add3A_125 : i32
      %add3A_127 = arith.constant 2 : i32
      %add3A_128 = arith.addi %add3A_126, %add3A_127 : i32
      %dma_wait3A_129 = arith.constant 0 : i32
      %dma_wait3A_130 = arith.constant 0 : i32
      %dma_wait3A_131 = tpu.memref_slice %arg7[%add3A_126, %dma_wait3A_130] : memref<40x125xi32, #tpu.memory_space<vmem>> -> memref<1x125xi32, #tpu.memory_space<vmem>>
      %dma_wait3A_132 = tpu.memref_squeeze %dma_wait3A_131 : memref<1x125xi32, #tpu.memory_space<vmem>> -> memref<125xi32, #tpu.memory_space<vmem>>
      %dma_wait3A_133 = arith.constant 0 : i32
      %dma_wait3A_134 = arith.constant 0 : i32
      %dma_wait3A_135 = tpu.memref_slice %arg10[%dma_wait3A_133, %dma_wait3A_134] : memref<10240x128xf32, #tpu.memory_space<vmem_shared>> -> memref<10240x128xf32, #tpu.memory_space<vmem_shared>>
      %dma_wait3A_136 = tpu.memref_slice %arg12[%dma_wait3A_129] : memref<2x!tpu.dma_semaphore, #tpu.memory_space<semaphore_mem>> -> memref<1x!tpu.dma_semaphore, #tpu.memory_space<semaphore_mem>>
      %dma_wait3A_137 = tpu.memref_squeeze %dma_wait3A_136 : memref<1x!tpu.dma_semaphore, #tpu.memory_space<semaphore_mem>> -> memref<!tpu.dma_semaphore, #tpu.memory_space<semaphore_mem>>
      tpu.wait_indirect_dma semaphore(%dma_wait3A_137 : memref<!tpu.dma_semaphore, #tpu.memory_space<semaphore_mem>>) src(%arg8 : memref<125x128xf32, #tpu.memory_space<vmem>>) dst(%dma_wait3A_135 : memref<10240x128xf32, #tpu.memory_space<vmem_shared>>)
      %lt3A = arith.constant 40 : i32
      %lt3A_138 = arith.cmpi slt, %add3A_128, %lt3A : i32
      %convert_element_type3A = arith.extui %lt3A_138 : i1 to i32
      %cond3A = arith.constant 0 : i32
      %cond3A_139 = arith.cmpi ne, %convert_element_type3A, %cond3A : i32
      scf.if %cond3A_139 {
        %dma_start3A_160 = arith.constant 0 : i32
        %dma_start3A_161 = arith.constant 0 : i32
        %dma_start3A_162 = tpu.memref_slice %arg6[%add3A_128, %dma_start3A_161] : memref<40x125xi32, #tpu.memory_space<vmem>> -> memref<1x125xi32, #tpu.memory_space<vmem>>
        %dma_start3A_163 = tpu.memref_squeeze %dma_start3A_162 : memref<1x125xi32, #tpu.memory_space<vmem>> -> memref<125xi32, #tpu.memory_space<vmem>>
        %dma_start3A_164 = arith.constant 0 : i32
        %dma_start3A_165 = arith.constant 0 : i32
        %dma_start3A_166 = tpu.memref_slice %arg2[%dma_start3A_164, %dma_start3A_165] : memref<20480x128xf32, #tpu.memory_space<hbm>> -> memref<20480x128xf32, #tpu.memory_space<hbm>>
        %dma_start3A_167 = tpu.memref_slice %arg11[%dma_start3A_160] : memref<2x!tpu.dma_semaphore, #tpu.memory_space<semaphore_mem>> -> memref<1x!tpu.dma_semaphore, #tpu.memory_space<semaphore_mem>>
        %dma_start3A_168 = tpu.memref_squeeze %dma_start3A_167 : memref<1x!tpu.dma_semaphore, #tpu.memory_space<semaphore_mem>> -> memref<!tpu.dma_semaphore, #tpu.memory_space<semaphore_mem>>
        tpu.enqueue_indirect_dma source(%dma_start3A_166 : memref<20480x128xf32, #tpu.memory_space<hbm>>) target(%arg8 : memref<125x128xf32, #tpu.memory_space<vmem>>) offsets(%dma_start3A_163 : memref<125xi32, #tpu.memory_space<vmem>>) semaphore(%dma_start3A_168 : memref<!tpu.dma_semaphore, #tpu.memory_space<semaphore_mem>>)
      } else {
      }
      %mul3A_140 = arith.constant 2 : i32
      %mul3A_141 = arith.muli %scan3A_79, %mul3A_140 : i32
      %add3A_142 = arith.constant 1 : i32
      %add3A_143 = arith.addi %mul3A_141, %add3A_142 : i32
      %add3A_144 = arith.constant 2 : i32
      %add3A_145 = arith.addi %add3A_143, %add3A_144 : i32
      %dma_wait3A_146 = arith.constant 1 : i32
      %dma_wait3A_147 = arith.constant 0 : i32
      %dma_wait3A_148 = tpu.memref_slice %arg7[%add3A_143, %dma_wait3A_147] : memref<40x125xi32, #tpu.memory_space<vmem>> -> memref<1x125xi32, #tpu.memory_space<vmem>>
      %dma_wait3A_149 = tpu.memref_squeeze %dma_wait3A_148 : memref<1x125xi32, #tpu.memory_space<vmem>> -> memref<125xi32, #tpu.memory_space<vmem>>
      %dma_wait3A_150 = arith.constant 0 : i32
      %dma_wait3A_151 = arith.constant 0 : i32
      %dma_wait3A_152 = tpu.memref_slice %arg10[%dma_wait3A_150, %dma_wait3A_151] : memref<10240x128xf32, #tpu.memory_space<vmem_shared>> -> memref<10240x128xf32, #tpu.memory_space<vmem_shared>>
      %dma_wait3A_153 = tpu.memref_slice %arg12[%dma_wait3A_146] : memref<2x!tpu.dma_semaphore, #tpu.memory_space<semaphore_mem>> -> memref<1x!tpu.dma_semaphore, #tpu.memory_space<semaphore_mem>>
      %dma_wait3A_154 = tpu.memref_squeeze %dma_wait3A_153 : memref<1x!tpu.dma_semaphore, #tpu.memory_space<semaphore_mem>> -> memref<!tpu.dma_semaphore, #tpu.memory_space<semaphore_mem>>
      tpu.wait_indirect_dma semaphore(%dma_wait3A_154 : memref<!tpu.dma_semaphore, #tpu.memory_space<semaphore_mem>>) src(%arg9 : memref<125x128xf32, #tpu.memory_space<vmem>>) dst(%dma_wait3A_152 : memref<10240x128xf32, #tpu.memory_space<vmem_shared>>)
      %lt3A_155 = arith.constant 40 : i32
      %lt3A_156 = arith.cmpi slt, %add3A_145, %lt3A_155 : i32
      %convert_element_type3A_157 = arith.extui %lt3A_156 : i1 to i32
      %cond3A_158 = arith.constant 0 : i32
      %cond3A_159 = arith.cmpi ne, %convert_element_type3A_157, %cond3A_158 : i32
      scf.if %cond3A_159 {
        %dma_start3A_160 = arith.constant 1 : i32
        %dma_start3A_161 = arith.constant 0 : i32
        %dma_start3A_162 = tpu.memref_slice %arg6[%add3A_145, %dma_start3A_161] : memref<40x125xi32, #tpu.memory_space<vmem>> -> memref<1x125xi32, #tpu.memory_space<vmem>>
        %dma_start3A_163 = tpu.memref_squeeze %dma_start3A_162 : memref<1x125xi32, #tpu.memory_space<vmem>> -> memref<125xi32, #tpu.memory_space<vmem>>
        %dma_start3A_164 = arith.constant 0 : i32
        %dma_start3A_165 = arith.constant 0 : i32
        %dma_start3A_166 = tpu.memref_slice %arg2[%dma_start3A_164, %dma_start3A_165] : memref<20480x128xf32, #tpu.memory_space<hbm>> -> memref<20480x128xf32, #tpu.memory_space<hbm>>
        %dma_start3A_167 = tpu.memref_slice %arg11[%dma_start3A_160] : memref<2x!tpu.dma_semaphore, #tpu.memory_space<semaphore_mem>> -> memref<1x!tpu.dma_semaphore, #tpu.memory_space<semaphore_mem>>
        %dma_start3A_168 = tpu.memref_squeeze %dma_start3A_167 : memref<1x!tpu.dma_semaphore, #tpu.memory_space<semaphore_mem>> -> memref<!tpu.dma_semaphore, #tpu.memory_space<semaphore_mem>>
        tpu.enqueue_indirect_dma source(%dma_start3A_166 : memref<20480x128xf32, #tpu.memory_space<hbm>>) target(%arg9 : memref<125x128xf32, #tpu.memory_space<vmem>>) offsets(%dma_start3A_163 : memref<125xi32, #tpu.memory_space<vmem>>) semaphore(%dma_start3A_168 : memref<!tpu.dma_semaphore, #tpu.memory_space<semaphore_mem>>)
      } else {
      }
    }
    %scan3A_74 = arith.constant 20 : i32
    %barrier3A_75 = arith.constant 0 : index
    tpu.barrier barrier_id(%barrier3A_75)
    %mul3A_76 = arith.constant 10240 : i32
    %mul3A_77 = arith.muli %arg0, %mul3A_76 : i32
    %add3A_78 = arith.addi %mul3A_77, %mul3A_0 : i32
    "tpu.region"() ({
      %run_scoped3A = tpu.sem_alloc : memref<!tpu.dma_semaphore, #tpu.memory_space<semaphore_mem>>
      %dma_start3A_79 = arith.constant 0 : i32
      %dma_start3A_80 = tpu.memref_slice %arg5[%add3A_78, %dma_start3A_79] : memref<20480x128xf32, #tpu.memory_space<hbm>> -> memref<640x128xf32, #tpu.memory_space<hbm>>
      %dma_start3A_81 = arith.constant 0 : i32
      %dma_start3A_82 = tpu.memref_slice %arg10[%mul3A_0, %dma_start3A_81] : memref<10240x128xf32, #tpu.memory_space<vmem_shared>> -> memref<640x128xf32, #tpu.memory_space<vmem_shared>>
      tpu.enqueue_dma source(%dma_start3A_82 : memref<640x128xf32, #tpu.memory_space<vmem_shared>>) target(%dma_start3A_80 : memref<640x128xf32, #tpu.memory_space<hbm>>) target_semaphore(%run_scoped3A : memref<!tpu.dma_semaphore, #tpu.memory_space<semaphore_mem>>)
      %dma_wait3A = arith.constant 0 : i32
      %dma_wait3A_83 = tpu.memref_slice %arg5[%add3A_78, %dma_wait3A] : memref<20480x128xf32, #tpu.memory_space<hbm>> -> memref<640x128xf32, #tpu.memory_space<hbm>>
      %dma_wait3A_84 = arith.constant 0 : i32
      %dma_wait3A_85 = tpu.memref_slice %arg10[%mul3A_0, %dma_wait3A_84] : memref<10240x128xf32, #tpu.memory_space<vmem_shared>> -> memref<640x128xf32, #tpu.memory_space<vmem_shared>>
      tpu.wait_dma2 semaphore(%run_scoped3A : memref<!tpu.dma_semaphore, #tpu.memory_space<semaphore_mem>>) src(%dma_wait3A_85 : memref<640x128xf32, #tpu.memory_space<vmem_shared>>) dst(%dma_wait3A_83 : memref<640x128xf32, #tpu.memory_space<hbm>>)
      tpu.yield
    }) : () -> ()
    return
  }
}

module attributes {stable_mosaic.version = 14 : i64} {
  func.func @_embed_body(%arg0: i32, %arg1: memref<400x8x512xf32, #tpu.memory_space<vmem>>, %arg2: memref<512x512xf32, #tpu.memory_space<vmem>>, %arg3: memref<1x512xf32, #tpu.memory_space<vmem>>, %arg4: memref<512x256xf32, #tpu.memory_space<vmem>>, %arg5: memref<1x256xf32, #tpu.memory_space<vmem>>, %arg6: memref<256x256xf32, #tpu.memory_space<vmem>>, %arg7: memref<1x256xf32, #tpu.memory_space<vmem>>, %arg8: memref<400x256xf32, #tpu.memory_space<vmem>>) attributes {dimension_semantics = [#tpu.dimension_semantics<arbitrary>], iteration_bounds = array<i64: 25>, scalar_prefetch = 0 : i64, scratch_operands = 0 : i64, tpu.core_type = #tpu.core_type<tc>, window_params = [{transform_indices = @transform_0, window_bounds = array<i64: 400, 8, 512>}, {pipeline_mode = #tpu.pipeline_mode<synchronous>, transform_indices = @transform_1, window_bounds = array<i64: 512, 512>}, {pipeline_mode = #tpu.pipeline_mode<synchronous>, transform_indices = @transform_2, window_bounds = array<i64: 1, 512>}, {pipeline_mode = #tpu.pipeline_mode<synchronous>, transform_indices = @transform_3, window_bounds = array<i64: 512, 256>}, {pipeline_mode = #tpu.pipeline_mode<synchronous>, transform_indices = @transform_4, window_bounds = array<i64: 1, 256>}, {pipeline_mode = #tpu.pipeline_mode<synchronous>, transform_indices = @transform_5, window_bounds = array<i64: 256, 256>}, {pipeline_mode = #tpu.pipeline_mode<synchronous>, transform_indices = @transform_6, window_bounds = array<i64: 1, 256>}, {transform_indices = @transform_7, window_bounds = array<i64: 400, 256>}]} {
    %get3A = arith.constant 0 : index
    %get3A_0 = arith.constant 0 : index
    %get3A_1 = arith.constant 0 : index
    %get3A_2 = vector.load %arg1[%get3A, %get3A_0, %get3A_1] : memref<400x8x512xf32, #tpu.memory_space<vmem>>, vector<400x8x512xf32>
    %reshape3A = vector.shape_cast %get3A_2 : vector<400x8x512xf32> to vector<3200x512xf32>
    %get3A_3 = arith.constant 0 : index
    %get3A_4 = arith.constant 0 : index
    %get3A_5 = vector.load %arg2[%get3A_3, %get3A_4] : memref<512x512xf32, #tpu.memory_space<vmem>>, vector<512x512xf32>
    %dot_general3A = arith.constant dense<0.000000e+00> : vector<3200x512xf32>
    %dot_general3A_6 = tpu.matmul %reshape3A, %get3A_5, %dot_general3A {dimension_numbers = #tpu.dot_dimension_numbers<[1], [0], [0], [1], [0, 0, 1, 1], [], []>, transpose_lhs_hint = false} : vector<3200x512xf32>, vector<512x512xf32>, vector<3200x512xf32> -> vector<3200x512xf32>
    %get3A_7 = arith.constant 0 : index
    %get3A_8 = arith.constant 0 : index
    %get3A_9 = vector.load %arg3[%get3A_7, %get3A_8] : memref<1x512xf32, #tpu.memory_space<vmem>>, vector<1x512xf32>
    %add3A = vector.broadcast %get3A_9 : vector<1x512xf32> to vector<3200x512xf32>
    %add3A_10 = arith.addf %dot_general3A_6, %add3A : vector<3200x512xf32>
    %max3A = arith.constant 0.000000e+00 : f32
    %max3A_11 = vector.broadcast %max3A : f32 to vector<3200x512xf32>
    %max3A_12 = arith.maximumf %add3A_10, %max3A_11 : vector<3200x512xf32>
    %reshape3A_13 = vector.shape_cast %max3A_12 : vector<3200x512xf32> to vector<400x8x512xf32>
    %reduce_sum3A = arith.constant dense<0.000000e+00> : vector<400x512xf32>
    %reduce_sum3A_14 = vector.multi_reduction <add>, %reshape3A_13, %reduce_sum3A [1] : vector<400x8x512xf32> to vector<400x512xf32>
    %get3A_15 = arith.constant 0 : index
    %get3A_16 = arith.constant 0 : index
    %get3A_17 = vector.load %arg4[%get3A_15, %get3A_16] : memref<512x256xf32, #tpu.memory_space<vmem>>, vector<512x256xf32>
    %dot_general3A_18 = arith.constant dense<0.000000e+00> : vector<400x256xf32>
    %dot_general3A_19 = tpu.matmul %reduce_sum3A_14, %get3A_17, %dot_general3A_18 {dimension_numbers = #tpu.dot_dimension_numbers<[1], [0], [0], [1], [0, 0, 1, 1], [], []>, transpose_lhs_hint = false} : vector<400x512xf32>, vector<512x256xf32>, vector<400x256xf32> -> vector<400x256xf32>
    %get3A_20 = arith.constant 0 : index
    %get3A_21 = arith.constant 0 : index
    %get3A_22 = vector.load %arg5[%get3A_20, %get3A_21] : memref<1x256xf32, #tpu.memory_space<vmem>>, vector<1x256xf32>
    %mul3A = arith.constant 8.000000e+00 : f32
    %mul3A_23 = vector.broadcast %mul3A : f32 to vector<1x256xf32>
    %mul3A_24 = arith.mulf %mul3A_23, %get3A_22 : vector<1x256xf32>
    %add3A_25 = vector.broadcast %mul3A_24 : vector<1x256xf32> to vector<400x256xf32>
    %add3A_26 = arith.addf %dot_general3A_19, %add3A_25 : vector<400x256xf32>
    %get3A_27 = arith.constant 0 : index
    %get3A_28 = arith.constant 0 : index
    %get3A_29 = vector.load %arg6[%get3A_27, %get3A_28] : memref<256x256xf32, #tpu.memory_space<vmem>>, vector<256x256xf32>
    %dot_general3A_30 = arith.constant dense<0.000000e+00> : vector<400x256xf32>
    %dot_general3A_31 = tpu.matmul %add3A_26, %get3A_29, %dot_general3A_30 {dimension_numbers = #tpu.dot_dimension_numbers<[1], [0], [0], [1], [0, 0, 1, 1], [], []>, transpose_lhs_hint = false} : vector<400x256xf32>, vector<256x256xf32>, vector<400x256xf32> -> vector<400x256xf32>
    %get3A_32 = arith.constant 0 : index
    %get3A_33 = arith.constant 0 : index
    %get3A_34 = vector.load %arg7[%get3A_32, %get3A_33] : memref<1x256xf32, #tpu.memory_space<vmem>>, vector<1x256xf32>
    %add3A_35 = vector.broadcast %get3A_34 : vector<1x256xf32> to vector<400x256xf32>
    %add3A_36 = arith.addf %dot_general3A_31, %add3A_35 : vector<400x256xf32>
    %max3A_37 = arith.constant 0.000000e+00 : f32
    %max3A_38 = vector.broadcast %max3A_37 : f32 to vector<400x256xf32>
    %max3A_39 = arith.maximumf %add3A_36, %max3A_38 : vector<400x256xf32>
    %swap3A = arith.constant 0 : index
    %swap3A_40 = arith.constant 0 : index
    %swap3A_41 = vector.load %arg8[%swap3A, %swap3A_40] : memref<400x256xf32, #tpu.memory_space<vmem>>, vector<400x256xf32>
    tpu.vector_store %arg8[%swap3A, %swap3A_40], %max3A_39 {strides = array<i32>} : memref<400x256xf32, #tpu.memory_space<vmem>>, vector<400x256xf32>,
    return
  }
  func.func @transform_0(%arg0: i32) -> (i32, i32, i32) {
    %c0_i32 = arith.constant 0 : i32
    %c0_i32_0 = arith.constant 0 : i32
    %c0_i32_1 = arith.constant 0 : i32
    return %arg0, %c0_i32, %c0_i32_0 : i32, i32, i32
  }
  func.func @transform_1(%arg0: i32) -> (i32, i32) {
    %c0_i32 = arith.constant 0 : i32
    %c0_i32_0 = arith.constant 0 : i32
    %c0_i32_1 = arith.constant 0 : i32
    return %c0_i32, %c0_i32_0 : i32, i32
  }
  func.func @transform_2(%arg0: i32) -> (i32, i32) {
    %c0_i32 = arith.constant 0 : i32
    %c0_i32_0 = arith.constant 0 : i32
    %c0_i32_1 = arith.constant 0 : i32
    return %c0_i32, %c0_i32_0 : i32, i32
  }
  func.func @transform_3(%arg0: i32) -> (i32, i32) {
    %c0_i32 = arith.constant 0 : i32
    %c0_i32_0 = arith.constant 0 : i32
    %c0_i32_1 = arith.constant 0 : i32
    return %c0_i32, %c0_i32_0 : i32, i32
  }
  func.func @transform_4(%arg0: i32) -> (i32, i32) {
    %c0_i32 = arith.constant 0 : i32
    %c0_i32_0 = arith.constant 0 : i32
    %c0_i32_1 = arith.constant 0 : i32
    return %c0_i32, %c0_i32_0 : i32, i32
  }
  func.func @transform_5(%arg0: i32) -> (i32, i32) {
    %c0_i32 = arith.constant 0 : i32
    %c0_i32_0 = arith.constant 0 : i32
    %c0_i32_1 = arith.constant 0 : i32
    return %c0_i32, %c0_i32_0 : i32, i32
  }
  func.func @transform_6(%arg0: i32) -> (i32, i32) {
    %c0_i32 = arith.constant 0 : i32
    %c0_i32_0 = arith.constant 0 : i32
    %c0_i32_1 = arith.constant 0 : i32
    return %c0_i32, %c0_i32_0 : i32, i32
  }
  func.func @transform_7(%arg0: i32) -> (i32, i32) {
    %c0_i32 = arith.constant 0 : i32
    %c0_i32_0 = arith.constant 0 : i32
    return %arg0, %c0_i32 : i32, i32
  }
}

module attributes {stable_mosaic.version = 14 : i64} {
  func.func @_pre_body(%arg0: i32, %arg1: memref<1024x256xf32, #tpu.memory_space<vmem>>, %arg2: memref<256x256xf32, #tpu.memory_space<vmem>>, %arg3: memref<2x1024x8xf32, #tpu.memory_space<vmem>>, %arg4: memref<2x1024x128xf32, #tpu.memory_space<vmem>>) attributes {dimension_semantics = [#tpu.dimension_semantics<arbitrary>], iteration_bounds = array<i64: 10>, scalar_prefetch = 0 : i64, scratch_operands = 0 : i64, tpu.core_type = #tpu.core_type<tc>, window_params = [{transform_indices = @transform_0, window_bounds = array<i64: 1024, 256>}, {pipeline_mode = #tpu.pipeline_mode<synchronous>, transform_indices = @transform_1, window_bounds = array<i64: 256, 256>}, {transform_indices = @transform_2, window_bounds = array<i64: 2, 1024, 8>}, {transform_indices = @transform_3, window_bounds = array<i64: 2, 1024, 128>}]} {
    %get3A = arith.constant 0 : index
    %get3A_0 = arith.constant 0 : index
    %get3A_1 = arith.constant 0 : index
    %get3A_2 = vector.load %arg3[%get3A, %get3A_0, %get3A_1] : memref<2x1024x8xf32, #tpu.memory_space<vmem>>, vector<1x1024x1xf32>
    %get3A_3 = vector.shape_cast %get3A_2 : vector<1x1024x1xf32> to vector<1024x1xf32>
    %get3A_4 = arith.constant 1 : index
    %get3A_5 = arith.constant 0 : index
    %get3A_6 = arith.constant 0 : index
    %get3A_7 = vector.load %arg3[%get3A_4, %get3A_5, %get3A_6] : memref<2x1024x8xf32, #tpu.memory_space<vmem>>, vector<1x1024x1xf32>
    %get3A_8 = vector.shape_cast %get3A_7 : vector<1x1024x1xf32> to vector<1024x1xf32>
    %add3A = arith.addf %get3A_3, %get3A_8 : vector<1024x1xf32>
    %sub3A = arith.constant 1.000000e+00 : f32
    %sub3A_9 = vector.broadcast %sub3A : f32 to vector<1024x1xf32>
    %sub3A_10 = arith.subf %add3A, %sub3A_9 : vector<1024x1xf32>
    %max3A = arith.constant 1.000000e+00 : f32
    %max3A_11 = vector.broadcast %max3A : f32 to vector<1024x1xf32>
    %max3A_12 = arith.maximumf %sub3A_10, %max3A_11 : vector<1024x1xf32>
    %rsqrt3A = math.rsqrt %max3A_12 : vector<1024x1xf32>
    %get3A_13 = arith.constant 0 : index
    %get3A_14 = arith.constant 0 : index
    %get3A_15 = vector.load %arg1[%get3A_13, %get3A_14] : memref<1024x256xf32, #tpu.memory_space<vmem>>, vector<1024x256xf32>
    %get3A_16 = arith.constant 0 : index
    %get3A_17 = arith.constant 0 : index
    %get3A_18 = vector.load %arg2[%get3A_16, %get3A_17] : memref<256x256xf32, #tpu.memory_space<vmem>>, vector<256x256xf32>
    %dot_general3A = arith.constant dense<0.000000e+00> : vector<1024x256xf32>
    %dot_general3A_19 = tpu.matmul %get3A_15, %get3A_18, %dot_general3A {dimension_numbers = #tpu.dot_dimension_numbers<[1], [0], [0], [1], [0, 0, 1, 1], [], []>, transpose_lhs_hint = false} : vector<1024x256xf32>, vector<256x256xf32>, vector<1024x256xf32> -> vector<1024x256xf32>
    %mul3A = vector.broadcast %rsqrt3A : vector<1024x1xf32> to vector<1024x256xf32>
    %mul3A_20 = arith.mulf %dot_general3A_19, %mul3A : vector<1024x256xf32>
    %slice3A = vector.extract_strided_slice %mul3A_20 {offsets = [0, 0], sizes = [1024, 128], strides = [1, 1]} : vector<1024x256xf32> to vector<1024x128xf32>
    %swap3A = arith.constant 0 : index
    %swap3A_21 = arith.constant 0 : index
    %swap3A_22 = arith.constant 0 : index
    %swap3A_23 = vector.load %arg4[%swap3A, %swap3A_21, %swap3A_22] : memref<2x1024x128xf32, #tpu.memory_space<vmem>>, vector<1x1024x128xf32>
    %swap3A_24 = vector.shape_cast %swap3A_23 : vector<1x1024x128xf32> to vector<1024x128xf32>
    %swap3A_25 = vector.shape_cast %slice3A : vector<1024x128xf32> to vector<1x1024x128xf32>
    tpu.vector_store %arg4[%swap3A, %swap3A_21, %swap3A_22], %swap3A_25 {strides = array<i32>} : memref<2x1024x128xf32, #tpu.memory_space<vmem>>, vector<1x1024x128xf32>,
    %slice3A_26 = vector.extract_strided_slice %mul3A_20 {offsets = [0, 128], sizes = [1024, 128], strides = [1, 1]} : vector<1024x256xf32> to vector<1024x128xf32>
    %swap3A_27 = arith.constant 1 : index
    %swap3A_28 = arith.constant 0 : index
    %swap3A_29 = arith.constant 0 : index
    %swap3A_30 = vector.load %arg4[%swap3A_27, %swap3A_28, %swap3A_29] : memref<2x1024x128xf32, #tpu.memory_space<vmem>>, vector<1x1024x128xf32>
    %swap3A_31 = vector.shape_cast %swap3A_30 : vector<1x1024x128xf32> to vector<1024x128xf32>
    %swap3A_32 = vector.shape_cast %slice3A_26 : vector<1024x128xf32> to vector<1x1024x128xf32>
    tpu.vector_store %arg4[%swap3A_27, %swap3A_28, %swap3A_29], %swap3A_32 {strides = array<i32>} : memref<2x1024x128xf32, #tpu.memory_space<vmem>>, vector<1x1024x128xf32>,
    return
  }
  func.func @transform_0(%arg0: i32) -> (i32, i32) {
    %c0_i32 = arith.constant 0 : i32
    %c0_i32_0 = arith.constant 0 : i32
    return %arg0, %c0_i32 : i32, i32
  }
  func.func @transform_1(%arg0: i32) -> (i32, i32) {
    %c0_i32 = arith.constant 0 : i32
    %c0_i32_0 = arith.constant 0 : i32
    %c0_i32_1 = arith.constant 0 : i32
    return %c0_i32, %c0_i32_0 : i32, i32
  }
  func.func @transform_2(%arg0: i32) -> (i32, i32, i32) {
    %c0_i32 = arith.constant 0 : i32
    %c0_i32_0 = arith.constant 0 : i32
    %c0_i32_1 = arith.constant 0 : i32
    return %c0_i32, %arg0, %c0_i32_0 : i32, i32, i32
  }
  func.func @transform_3(%arg0: i32) -> (i32, i32, i32) {
    %c0_i32 = arith.constant 0 : i32
    %c0_i32_0 = arith.constant 0 : i32
    %c0_i32_1 = arith.constant 0 : i32
    return %c0_i32, %arg0, %c0_i32_0 : i32, i32, i32
  }
}

module attributes {stable_mosaic.version = 14 : i64} {
  func.func @_mid_body(%arg0: i32, %arg1: memref<2x1024x128xf32, #tpu.memory_space<vmem>>, %arg2: memref<2x1024x8xf32, #tpu.memory_space<vmem>>, %arg3: memref<256x256xf32, #tpu.memory_space<vmem>>, %arg4: memref<1x256xf32, #tpu.memory_space<vmem>>, %arg5: memref<2x1024x128xf32, #tpu.memory_space<vmem>>) attributes {dimension_semantics = [#tpu.dimension_semantics<arbitrary>], iteration_bounds = array<i64: 10>, scalar_prefetch = 0 : i64, scratch_operands = 0 : i64, tpu.core_type = #tpu.core_type<tc>, window_params = [{transform_indices = @transform_0, window_bounds = array<i64: 2, 1024, 128>}, {transform_indices = @transform_1, window_bounds = array<i64: 2, 1024, 8>}, {pipeline_mode = #tpu.pipeline_mode<synchronous>, transform_indices = @transform_2, window_bounds = array<i64: 256, 256>}, {pipeline_mode = #tpu.pipeline_mode<synchronous>, transform_indices = @transform_3, window_bounds = array<i64: 1, 256>}, {transform_indices = @transform_4, window_bounds = array<i64: 2, 1024, 128>}]} {
    %get3A = arith.constant 0 : index
    %get3A_0 = arith.constant 0 : index
    %get3A_1 = arith.constant 0 : index
    %get3A_2 = vector.load %arg2[%get3A, %get3A_0, %get3A_1] : memref<2x1024x8xf32, #tpu.memory_space<vmem>>, vector<1x1024x1xf32>
    %get3A_3 = vector.shape_cast %get3A_2 : vector<1x1024x1xf32> to vector<1024x1xf32>
    %get3A_4 = arith.constant 1 : index
    %get3A_5 = arith.constant 0 : index
    %get3A_6 = arith.constant 0 : index
    %get3A_7 = vector.load %arg2[%get3A_4, %get3A_5, %get3A_6] : memref<2x1024x8xf32, #tpu.memory_space<vmem>>, vector<1x1024x1xf32>
    %get3A_8 = vector.shape_cast %get3A_7 : vector<1x1024x1xf32> to vector<1024x1xf32>
    %add3A = arith.addf %get3A_3, %get3A_8 : vector<1024x1xf32>
    %sub3A = arith.constant 1.000000e+00 : f32
    %sub3A_9 = vector.broadcast %sub3A : f32 to vector<1024x1xf32>
    %sub3A_10 = arith.subf %add3A, %sub3A_9 : vector<1024x1xf32>
    %max3A = arith.constant 1.000000e+00 : f32
    %max3A_11 = vector.broadcast %max3A : f32 to vector<1024x1xf32>
    %max3A_12 = arith.maximumf %sub3A_10, %max3A_11 : vector<1024x1xf32>
    %rsqrt3A = math.rsqrt %max3A_12 : vector<1024x1xf32>
    %get3A_13 = arith.constant 0 : index
    %get3A_14 = arith.constant 0 : index
    %get3A_15 = arith.constant 0 : index
    %get3A_16 = vector.load %arg1[%get3A_13, %get3A_14, %get3A_15] : memref<2x1024x128xf32, #tpu.memory_space<vmem>>, vector<1x1024x128xf32>
    %get3A_17 = vector.shape_cast %get3A_16 : vector<1x1024x128xf32> to vector<1024x128xf32>
    %get3A_18 = arith.constant 1 : index
    %get3A_19 = arith.constant 0 : index
    %get3A_20 = arith.constant 0 : index
    %get3A_21 = vector.load %arg1[%get3A_18, %get3A_19, %get3A_20] : memref<2x1024x128xf32, #tpu.memory_space<vmem>>, vector<1x1024x128xf32>
    %get3A_22 = vector.shape_cast %get3A_21 : vector<1x1024x128xf32> to vector<1024x128xf32>
    %concatenate3A = tpu.concatenate %get3A_17, %get3A_22 in 1 : vector<1024x128xf32>, vector<1024x128xf32> -> vector<1024x256xf32>
    %mul3A = vector.broadcast %rsqrt3A : vector<1024x1xf32> to vector<1024x256xf32>
    %mul3A_23 = arith.mulf %concatenate3A, %mul3A : vector<1024x256xf32>
    %get3A_24 = arith.constant 0 : index
    %get3A_25 = arith.constant 0 : index
    %get3A_26 = vector.load %arg4[%get3A_24, %get3A_25] : memref<1x256xf32, #tpu.memory_space<vmem>>, vector<1x256xf32>
    %add3A_27 = vector.broadcast %get3A_26 : vector<1x256xf32> to vector<1024x256xf32>
    %add3A_28 = arith.addf %mul3A_23, %add3A_27 : vector<1024x256xf32>
    %max3A_29 = arith.constant 0.000000e+00 : f32
    %max3A_30 = vector.broadcast %max3A_29 : f32 to vector<1024x256xf32>
    %max3A_31 = arith.maximumf %add3A_28, %max3A_30 : vector<1024x256xf32>
    %get3A_32 = arith.constant 0 : index
    %get3A_33 = arith.constant 0 : index
    %get3A_34 = vector.load %arg3[%get3A_32, %get3A_33] : memref<256x256xf32, #tpu.memory_space<vmem>>, vector<256x256xf32>
    %dot_general3A = arith.constant dense<0.000000e+00> : vector<1024x256xf32>
    %dot_general3A_35 = tpu.matmul %max3A_31, %get3A_34, %dot_general3A {dimension_numbers = #tpu.dot_dimension_numbers<[1], [0], [0], [1], [0, 0, 1, 1], [], []>, transpose_lhs_hint = false} : vector<1024x256xf32>, vector<256x256xf32>, vector<1024x256xf32> -> vector<1024x256xf32>
    %mul3A_36 = vector.broadcast %rsqrt3A : vector<1024x1xf32> to vector<1024x256xf32>
    %mul3A_37 = arith.mulf %dot_general3A_35, %mul3A_36 : vector<1024x256xf32>
    %slice3A = vector.extract_strided_slice %mul3A_37 {offsets = [0, 0], sizes = [1024, 128], strides = [1, 1]} : vector<1024x256xf32> to vector<1024x128xf32>
    %swap3A = arith.constant 0 : index
    %swap3A_38 = arith.constant 0 : index
    %swap3A_39 = arith.constant 0 : index
    %swap3A_40 = vector.load %arg5[%swap3A, %swap3A_38, %swap3A_39] : memref<2x1024x128xf32, #tpu.memory_space<vmem>>, vector<1x1024x128xf32>
    %swap3A_41 = vector.shape_cast %swap3A_40 : vector<1x1024x128xf32> to vector<1024x128xf32>
    %swap3A_42 = vector.shape_cast %slice3A : vector<1024x128xf32> to vector<1x1024x128xf32>
    tpu.vector_store %arg5[%swap3A, %swap3A_38, %swap3A_39], %swap3A_42 {strides = array<i32>} : memref<2x1024x128xf32, #tpu.memory_space<vmem>>, vector<1x1024x128xf32>,
    %slice3A_43 = vector.extract_strided_slice %mul3A_37 {offsets = [0, 128], sizes = [1024, 128], strides = [1, 1]} : vector<1024x256xf32> to vector<1024x128xf32>
    %swap3A_44 = arith.constant 1 : index
    %swap3A_45 = arith.constant 0 : index
    %swap3A_46 = arith.constant 0 : index
    %swap3A_47 = vector.load %arg5[%swap3A_44, %swap3A_45, %swap3A_46] : memref<2x1024x128xf32, #tpu.memory_space<vmem>>, vector<1x1024x128xf32>
    %swap3A_48 = vector.shape_cast %swap3A_47 : vector<1x1024x128xf32> to vector<1024x128xf32>
    %swap3A_49 = vector.shape_cast %slice3A_43 : vector<1024x128xf32> to vector<1x1024x128xf32>
    tpu.vector_store %arg5[%swap3A_44, %swap3A_45, %swap3A_46], %swap3A_49 {strides = array<i32>} : memref<2x1024x128xf32, #tpu.memory_space<vmem>>, vector<1x1024x128xf32>,
    return
  }
  func.func @transform_0(%arg0: i32) -> (i32, i32, i32) {
    %c0_i32 = arith.constant 0 : i32
    %c0_i32_0 = arith.constant 0 : i32
    %c0_i32_1 = arith.constant 0 : i32
    return %c0_i32, %arg0, %c0_i32_0 : i32, i32, i32
  }
  func.func @transform_1(%arg0: i32) -> (i32, i32, i32) {
    %c0_i32 = arith.constant 0 : i32
    %c0_i32_0 = arith.constant 0 : i32
    %c0_i32_1 = arith.constant 0 : i32
    return %c0_i32, %arg0, %c0_i32_0 : i32, i32, i32
  }
  func.func @transform_2(%arg0: i32) -> (i32, i32) {
    %c0_i32 = arith.constant 0 : i32
    %c0_i32_0 = arith.constant 0 : i32
    %c0_i32_1 = arith.constant 0 : i32
    return %c0_i32, %c0_i32_0 : i32, i32
  }
  func.func @transform_3(%arg0: i32) -> (i32, i32) {
    %c0_i32 = arith.constant 0 : i32
    %c0_i32_0 = arith.constant 0 : i32
    %c0_i32_1 = arith.constant 0 : i32
    return %c0_i32, %c0_i32_0 : i32, i32
  }
  func.func @transform_4(%arg0: i32) -> (i32, i32, i32) {
    %c0_i32 = arith.constant 0 : i32
    %c0_i32_0 = arith.constant 0 : i32
    %c0_i32_1 = arith.constant 0 : i32
    return %c0_i32, %arg0, %c0_i32_0 : i32, i32, i32
  }
}

module attributes {stable_mosaic.version = 14 : i64} {
  func.func @_fin_body(%arg0: i32, %arg1: memref<2x1024x128xf32, #tpu.memory_space<vmem>>, %arg2: memref<2x1024x8xf32, #tpu.memory_space<vmem>>, %arg3: memref<1x256xf32, #tpu.memory_space<vmem>>, %arg4: memref<1024x256xf32, #tpu.memory_space<vmem>>, %arg5: memref<1024x256xf32, #tpu.memory_space<vmem>>) attributes {dimension_semantics = [#tpu.dimension_semantics<arbitrary>], iteration_bounds = array<i64: 10>, scalar_prefetch = 0 : i64, scratch_operands = 0 : i64, tpu.core_type = #tpu.core_type<tc>, window_params = [{transform_indices = @transform_0, window_bounds = array<i64: 2, 1024, 128>}, {transform_indices = @transform_1, window_bounds = array<i64: 2, 1024, 8>}, {pipeline_mode = #tpu.pipeline_mode<synchronous>, transform_indices = @transform_2, window_bounds = array<i64: 1, 256>}, {transform_indices = @transform_3, window_bounds = array<i64: 1024, 256>}, {transform_indices = @transform_4, window_bounds = array<i64: 1024, 256>}]} {
    %get3A = arith.constant 0 : index
    %get3A_0 = arith.constant 0 : index
    %get3A_1 = arith.constant 0 : index
    %get3A_2 = vector.load %arg2[%get3A, %get3A_0, %get3A_1] : memref<2x1024x8xf32, #tpu.memory_space<vmem>>, vector<1x1024x1xf32>
    %get3A_3 = vector.shape_cast %get3A_2 : vector<1x1024x1xf32> to vector<1024x1xf32>
    %get3A_4 = arith.constant 1 : index
    %get3A_5 = arith.constant 0 : index
    %get3A_6 = arith.constant 0 : index
    %get3A_7 = vector.load %arg2[%get3A_4, %get3A_5, %get3A_6] : memref<2x1024x8xf32, #tpu.memory_space<vmem>>, vector<1x1024x1xf32>
    %get3A_8 = vector.shape_cast %get3A_7 : vector<1x1024x1xf32> to vector<1024x1xf32>
    %add3A = arith.addf %get3A_3, %get3A_8 : vector<1024x1xf32>
    %sub3A = arith.constant 1.000000e+00 : f32
    %sub3A_9 = vector.broadcast %sub3A : f32 to vector<1024x1xf32>
    %sub3A_10 = arith.subf %add3A, %sub3A_9 : vector<1024x1xf32>
    %max3A = arith.constant 1.000000e+00 : f32
    %max3A_11 = vector.broadcast %max3A : f32 to vector<1024x1xf32>
    %max3A_12 = arith.maximumf %sub3A_10, %max3A_11 : vector<1024x1xf32>
    %rsqrt3A = math.rsqrt %max3A_12 : vector<1024x1xf32>
    %get3A_13 = arith.constant 0 : index
    %get3A_14 = arith.constant 0 : index
    %get3A_15 = arith.constant 0 : index
    %get3A_16 = vector.load %arg1[%get3A_13, %get3A_14, %get3A_15] : memref<2x1024x128xf32, #tpu.memory_space<vmem>>, vector<1x1024x128xf32>
    %get3A_17 = vector.shape_cast %get3A_16 : vector<1x1024x128xf32> to vector<1024x128xf32>
    %get3A_18 = arith.constant 1 : index
    %get3A_19 = arith.constant 0 : index
    %get3A_20 = arith.constant 0 : index
    %get3A_21 = vector.load %arg1[%get3A_18, %get3A_19, %get3A_20] : memref<2x1024x128xf32, #tpu.memory_space<vmem>>, vector<1x1024x128xf32>
    %get3A_22 = vector.shape_cast %get3A_21 : vector<1x1024x128xf32> to vector<1024x128xf32>
    %concatenate3A = tpu.concatenate %get3A_17, %get3A_22 in 1 : vector<1024x128xf32>, vector<1024x128xf32> -> vector<1024x256xf32>
    %mul3A = vector.broadcast %rsqrt3A : vector<1024x1xf32> to vector<1024x256xf32>
    %mul3A_23 = arith.mulf %concatenate3A, %mul3A : vector<1024x256xf32>
    %get3A_24 = arith.constant 0 : index
    %get3A_25 = arith.constant 0 : index
    %get3A_26 = vector.load %arg3[%get3A_24, %get3A_25] : memref<1x256xf32, #tpu.memory_space<vmem>>, vector<1x256xf32>
    %add3A_27 = vector.broadcast %get3A_26 : vector<1x256xf32> to vector<1024x256xf32>
    %add3A_28 = arith.addf %mul3A_23, %add3A_27 : vector<1024x256xf32>
    %get3A_29 = arith.constant 0 : index
    %get3A_30 = arith.constant 0 : index
    %get3A_31 = vector.load %arg4[%get3A_29, %get3A_30] : memref<1024x256xf32, #tpu.memory_space<vmem>>, vector<1024x256xf32>
    %add3A_32 = arith.addf %get3A_31, %add3A_28 : vector<1024x256xf32>
    %max3A_33 = arith.constant 0.000000e+00 : f32
    %max3A_34 = vector.broadcast %max3A_33 : f32 to vector<1024x256xf32>
    %max3A_35 = arith.maximumf %add3A_32, %max3A_34 : vector<1024x256xf32>
    %add3A_36 = arith.addf %max3A_35, %get3A_31 : vector<1024x256xf32>
    %swap3A = arith.constant 0 : index
    %swap3A_37 = arith.constant 0 : index
    %swap3A_38 = vector.load %arg5[%swap3A, %swap3A_37] : memref<1024x256xf32, #tpu.memory_space<vmem>>, vector<1024x256xf32>
    tpu.vector_store %arg5[%swap3A, %swap3A_37], %add3A_36 {strides = array<i32>} : memref<1024x256xf32, #tpu.memory_space<vmem>>, vector<1024x256xf32>,
    return
  }
  func.func @transform_0(%arg0: i32) -> (i32, i32, i32) {
    %c0_i32 = arith.constant 0 : i32
    %c0_i32_0 = arith.constant 0 : i32
    %c0_i32_1 = arith.constant 0 : i32
    return %c0_i32, %arg0, %c0_i32_0 : i32, i32, i32
  }
  func.func @transform_1(%arg0: i32) -> (i32, i32, i32) {
    %c0_i32 = arith.constant 0 : i32
    %c0_i32_0 = arith.constant 0 : i32
    %c0_i32_1 = arith.constant 0 : i32
    return %c0_i32, %arg0, %c0_i32_0 : i32, i32, i32
  }
  func.func @transform_2(%arg0: i32) -> (i32, i32) {
    %c0_i32 = arith.constant 0 : i32
    %c0_i32_0 = arith.constant 0 : i32
    %c0_i32_1 = arith.constant 0 : i32
    return %c0_i32, %c0_i32_0 : i32, i32
  }
  func.func @transform_3(%arg0: i32) -> (i32, i32) {
    %c0_i32 = arith.constant 0 : i32
    %c0_i32_0 = arith.constant 0 : i32
    return %arg0, %c0_i32 : i32, i32
  }
  func.func @transform_4(%arg0: i32) -> (i32, i32) {
    %c0_i32 = arith.constant 0 : i32
    %c0_i32_0 = arith.constant 0 : i32
    return %arg0, %c0_i32 : i32, i32
  }
}

</mosaic_0001>

<sc_bundles>
// kernel: kernel.12.cloned.1.call-start
scs
__scs_entry_jumppad:
0x0: {  	(pc) =	sbr.rel $0x88, $3  }
0x1: {  	(tag) =	ssettag $0x0;
	lr =	simm.s32 $0x1  }
0x2: {  	[smem:$0x3F95] =	sst lr;
	_ =	strace $0xD0000000  }
0x3: {  	_ = 	snop  }
0x4: {  	_ = 	snop  }
0x5: {  	_ = 	snop  }
0x6: {  	_ = 	snop  }
0x7: {  	_ = 	snop  }
__scs_overlays_trampoline_lowered:
0x8: {  	[smem:$0x3FA4] =	sst s0  }
0x9: {  	[smem:$0x3FA5] =	sst s1  }
0xa: {  	[smem:$0x3FA6] =	sst s2  }
0xb: {  	[smem:$0x3FA7] =	sst s3  }
0xc: {  	[smem:$0x3FA8] =	sst s4  }
0xd: {  	[smem:$0x3FA9] =	sst s5  }
0xe: {  	[smem:$0x3FAA] =	sst s6  }
0xf: {  	[smem:$0x3FAB] =	sst s7  }
0x10: {  	[smem:$0x3FAC] =	sst s8  }
0x11: {  	[smem:$0x3FAD] =	sst s9;
	s0 =	simm.s32 @!p0 $0x0  }
0x12: {  	s1 =	sld [smem:$0x3F93];
	s0 =	simm.s32 @p0 $0x1  }
0x13: {  	[smem:$0x3FAE] =	sst s0;
	s0 =	simm.s32 @!p1 $0x0  }
0x14: {  	s2 =	sld [smem:$0x3F92];
	s0 =	simm.s32 @p1 $0x1  }
0x15: {  	[smem:$0x3FAF] =	sst s0;
	s0 =	simm.s32 @!p2 $0x0  }
0x16: {  	s3 =	sld [smem:$0x3FDB];
	s0 =	simm.s32 @p2 $0x1  }
0x17: {  	s4 =	simm.s32 $0x1BF5;
	[smem:$0x3FB1] =	sst s0  }
0x18: {  	s0 =	sld [smem:$0x3F94];
	_ =	swait.ge [sflag:s4], $0x0  }
0x19: {  	s7 =	sld [smem:$0x3F95]  }
0x1a: {  	s8 =	sadd.s32 $0xFFFFE003, lr  }
0x1b: {  	s9 =	sadd.s32 $0xFFFFFEF7, lr;
	s5 =	simm.s32 $0xFFFFFFFF;
	p2 =	slt.u32 s8, $0xFFFFF086  }
0x1c: {  	p1 =	slt.u32 s9, $0xF7A;
	s5 =	simm.s32 @!p2 $0x0  }
0x1d: {  	s5 =	simm.s32 @p1 $0x1;
	p0 =	seq.s32 s7, s2  }
0x1e: {  	s7 =	smul.u32 @!p0 $0xF7A, s2;
	p2 =	seq.s32 @!p0 s5, $0x0  }
0x1f: {  	s9 =	smul.u32 $0xF7A, s1;
	s8 =	simm.s32 @!p0 $0x1BF5;
	p2 =	por !p2, p0  }
0x20: {  	[sflag:s8] =	ssyncset.s32 @!p0 $0xFFFFF086;
	s6 =	sadd.s32 @!p0 s3, s7;
	s7 =	simm.s32 @!p0 $0x108  }
0x21: {  	s3 =	sadd.s32 s3, s9;
	s6 =	sadd.s32 @!p0 $0x88, s6;
	s7 =	simm.s32 @p2 $0x1082  }
0x22: {  	[simem:s7], [sflag:s8] =	dma.local @!p0 [hbm:s6], $0xF7A  }
0x23: {  	s9 =	sor.u32 $0xD0000000, s2;
	s6 =	simm.s32 $0x108;
	_ =	swait.ge @!p0 [sflag:s8], $0x0  }
0x24: {  	s3 =	sadd.s32 $0x88, s3;
	s6 =	simm.s32 @!p1 $0x1082;
	[sflag:s4] =	ssyncset.s32 $0xFFFFF086  }
0x25: {  	[simem:s6], [sflag:s4] =	dma.local [hbm:s3], $0xF7A  }
0x26: {  	[smem:$0x3F95] =	sst s1;
	(tag) =	ssettag s2;
	_ =	strace s9  }
0x27: {  	s1 =	sld [smem:$0x3FA5]  }
0x28: {  	s2 =	sld [smem:$0x3FA6]  }
0x29: {  	s4 =	sld [smem:$0x3FA8]  }
0x2a: {  	p0 =	seq.s32 s5, $0x0;
	s5 =	sld [smem:$0x3FA9]  }
0x2b: {  	s6 =	sld [smem:$0x3FAA]  }
0x2c: {  	s7 =	sld [smem:$0x3FAB]  }
0x2d: {  	s3 =	simm.s32 $0x108;
	s8 =	sld [smem:$0x3FAC]  }
0x2e: {  	s3 =	simm.s32 @!p0 $0x1082;
	s9 =	sld [smem:$0x3FAD]  }
0x2f: {  	lr =	sadd.s32 s0, s3;
	s0 =	sld [smem:$0x3FA4]  }
0x30: {  	s3 =	sld [smem:$0x3FA7]  }
0x31: {  	[smem:$0x3FB0] =	sst s10  }
0x32: {  	s10 =	sld [smem:$0x3FAE];
	_ =	sdelay $0x3  }
0x33: {  	p0 =	seq.s32 s10, $0x1;
	s10 =	sld [smem:$0x3FB0];
	_ =	sdelay $0x3  }
0x34: {  	[smem:$0x3FB0] =	sst s10  }
0x35: {  	s10 =	sld [smem:$0x3FAF];
	_ =	sdelay $0x3  }
0x36: {  	p1 =	seq.s32 s10, $0x1;
	s10 =	sld [smem:$0x3FB0];
	_ =	sdelay $0x3  }
0x37: {  	[smem:$0x3FB0] =	sst s10  }
0x38: {  	s10 =	sld [smem:$0x3FB1]  }
0x39: {  	_ = 	snop;
	(pc) =	sbr.ind lr, $3  }
0x3a: {  	_ = 	snop  }
0x3b: {  	_ = 	snop  }
0x3c: {  	p2 =	seq.s32 s10, $0x1;
	s10 =	sld [smem:$0x3FB0]  }
0x3d: {  	_ =	shalt  }
0x3e: {  	_ =	shalt  }
0x3f: {  	_ =	shalt  }
0x40: {  	_ =	shalt  }
0x41: {  	_ =	shalt  }
0x42: {  	_ =	shalt  }
0x43: {  	_ =	shalt  }
0x44: {  	_ =	shalt  }
0x45: {  	_ =	shalt  }
0x46: {  	_ =	shalt  }
0x47: {  	_ =	shalt  }
0x48: {  	_ =	shalt  }
0x49: {  	_ =	shalt  }
0x4a: {  	_ =	shalt  }
0x4b: {  	_ =	shalt  }
0x4c: {  	_ =	shalt  }
0x4d: {  	_ =	shalt  }
0x4e: {  	_ =	shalt  }
0x4f: {  	_ =	shalt  }
0x50: {  	_ =	shalt  }
0x51: {  	_ =	shalt  }
0x52: {  	_ =	shalt  }
0x53: {  	_ =	shalt  }
0x54: {  	_ =	shalt  }
0x55: {  	_ =	shalt  }
0x56: {  	_ =	shalt  }
0x57: {  	_ =	shalt  }
0x58: {  	_ =	shalt  }
0x59: {  	_ =	shalt  }
0x5a: {  	_ =	shalt  }
0x5b: {  	_ =	shalt  }
0x5c: {  	_ =	shalt  }
0x5d: {  	_ =	shalt  }
0x5e: {  	_ =	shalt  }
0x5f: {  	_ =	shalt  }
0x60: {  	_ =	shalt  }
0x61: {  	_ =	shalt  }
0x62: {  	_ =	shalt  }
0x63: {  	_ =	shalt  }
0x64: {  	_ =	shalt  }
0x65: {  	_ =	shalt  }
0x66: {  	_ =	shalt  }
0x67: {  	_ =	shalt  }
0x68: {  	_ =	shalt  }
0x69: {  	_ =	shalt  }
0x6a: {  	_ =	shalt  }
0x6b: {  	_ =	shalt  }
0x6c: {  	_ =	shalt  }
0x6d: {  	_ =	shalt  }
0x6e: {  	_ =	shalt  }
0x6f: {  	_ =	shalt  }
0x70: {  	_ =	shalt  }
0x71: {  	_ =	shalt  }
0x72: {  	_ =	shalt  }
0x73: {  	_ =	shalt  }
0x74: {  	_ =	shalt  }
0x75: {  	_ =	shalt  }
0x76: {  	_ =	shalt  }
0x77: {  	_ =	shalt  }
0x78: {  	_ =	shalt  }
0x79: {  	_ =	shalt  }
0x7a: {  	_ =	shalt  }
0x7b: {  	_ =	shalt  }
0x7c: {  	_ =	shalt  }
0x7d: {  	_ =	shalt  }
0x7e: {  	_ =	shalt  }
0x7f: {  	_ =	shalt  }
0x80: {  	_ =	shalt  }
0x81: {  	_ =	shalt  }
0x82: {  	_ =	shalt  }
0x83: {  	_ =	shalt  }
0x84: {  	_ =	shalt  }
0x85: {  	_ =	shalt  }
0x86: {  	_ =	shalt  }
0x87: {  	_ =	shalt  }
.Lfunc_end0:
.L_simem_size_0:
called_computation.1_lowered:
.L_overlay_start_0:
0x88: {  	s2 =	sld [smem:$0x3FD9]  }
0x89: {  	s3 =	sld [smem:$0x3FFE];
	_ =	sdelay $0x1  }
0x8a: {  	s1 =	srdreg.scid  }
0x8b: {  	s0 =	sand.u32 $0x1, s1  }
0x8c: {  	s17 =	sshll.u32 s0, $0xA;
	s2 =	sadd.s32 s3, s2  }
0x8d: {  	s2 =	sadd.s32 s2, s17  }
0x8e: {  	[smem:$0x3FBC] =	sst s2  }
0x8f: {  	_ = 	snop  }
0x90: {  	s2 =	sld [smem:$0x3FD0];
	(tm) =	ssettm $0x1  }
0x91: {  	s18 =	sld [smem:$0x3FFB];
	_ =	sdelay $0x3  }
0x92: {  	_ =	strace s18  }
0x93: {  	s3 =	sld [smem:$0x3FFC];
	_ =	sdelay $0x3  }
0x94: {  	_ =	strace s3  }
0x95: {  	s3 =	sld [smem:$0x3FFD];
	_ =	sdelay $0x3  }
0x96: {  	_ =	strace s3  }
0x97: {  	_ =	strace $0x8FFFFFFF  }
0x98: {  	s19 =	sld [smem:$0x3FDB];
	_ =	sdelay $0x1  }
0x99: {  	s4 =	simm.s32 $_scs_section_size  }
0x9a: {  	s5 =	simm.s32 $_size__tile_overlayer_lowered;
	s6 =	simm.s32 $_tile_overlayer_lowered  }
0x9b: {  	s22 =	simm.s32 $0x1BFF;
	s21 =	sshll.u32 s6, $0x1;
	s3 =	sadd.s32 s4, s19  }
0x9c: {  	s7 =	simm.s32 $0x0;
	s20 =	sshll.u32 s5, $0x1;
	s5 =	sadd.s32 s21, s3  }
0x9d: {  	[timem:s7], [sflag:s22] =	dma.local [hbm:s5], s20  }
0x9e: {  	_ =	swait.ge [sflag:s22], s20  }
0x9f: {  	s4 =	ssub.s32 $0x0, s20;
	[sflag:s22] =	ssyncset.done $0x0  }
0xa0: {  	[sflag:s22] =	ssyncadd.s32 s4;
	_ =	sdelay $0x1  }
0xa1: {  	s23 =	simm.s32 $0x1B8B  }
0xa2: {  	_ =	swait.ge [sflag:s23], $0x1  }
0xa3: {  	[sflag:s23] =	ssyncset.done $0x0  }
0xa4: {  	s25 =	simm.s32 $0x1B8E;
	s24 =	sld [smem:$0x3FFE];
	[sflag:s23] =	ssyncadd.s32 $0xFFFFFFFF  }
0xa5: {  	s26 =	simm.s32 $execute0_lowered;
	[smem:$0x3FD2] =	sst s25  }
0xa6: {  	s5 =	sshll.u32 s26, $0x1;
	_ =	strace $0x80000049;
	[dreg:$0x1] =	wrdreg $0xFFFFFFFF  }
0xa7: {  	s28 =	simm.s32 $_size_execute0_lowered;
	s3 =	sadd.s32 s3, s5;
	[dreg:$0x0] =	wrdreg $0x0  }
0xa8: {  	s5 =	sshll.u32 s28, $0x1;
	[dreg:$0x2] =	wrdreg s3  }
0xa9: {  	[dreg:$0x3] =	wrdreg s5  }
0xaa: {  	[dreg:$0x4] =	wrdreg $0xC0  }
0xab: {  	_ =	task [dreg:s7], $0x5FFFF  }
0xac: {  	[dreg:$0x1] =	wrdreg $0xFFFFFFFF  }
0xad: {  	[dreg:$0x0] =	wrdreg $0x60  }
0xae: {  	[dreg:$0x2] =	wrdreg s24  }
0xaf: {  	[dreg:$0x3] =	wrdreg s2  }
0xb0: {  	[dreg:$0x4] =	wrdreg $0xA8000  }
0xb1: {  	[dreg:$0x5] =	wrdreg $0x9  }
0xb2: {  	_ =	task.clear_ibuf [dreg:s7], $0x6FFFF;
	_ =	strace $0x90000049  }
0xb3: {  	s29 =	simm.s32 $0x9;
	_ =	strace $0x8000004B  }
0xb4: {  	_ =	swait.ge [sflag:s29], $0x1  }
0xb5: {  	[sflag:s29] =	ssyncadd.s32 $0xFFFFFFFF  }
0xb6: {  	_ =	strace $0x9000004B  }
0xb7: {  	_ =	sfence  }
0xb8: {  	s30 =	sld [smem:$0x0];
	_ =	sdelay $0x2  }
0xb9: {  	s31 =	sshll.u32 s1, $0xD;
	s1 =	sshrl.u32 s1, $0x2  }
0xba: {  	s3 =	sand.u32 $0x4000, s31;
	s1 =	sadd.s32 s1, s30  }
0xbb: {  	s0 =	sor.u32 s3, s0;
	s1 =	sshll.u32 s1, $0x11  }
0xbc: {  	s0 =	sor.u32 s1, s0  }
0xbd: {  	s0 =	sadd.s32 $0x8F2B, s0  }
0xbe: {  	[sflag:s0] =	ssyncadd.remote.s32 $0x1  }
0xbf: {  	_ =	sfence.sel $0xFFFF  }
0xc0: {  	[dreg:$0x0] =	wrdreg $0xFFFFFFFF;
	(pc) =	sbr.abs _section_cstart, $3  }
0xc1: {  	[dreg:$0x1] =	wrdreg $0xFFFFFFFF  }
0xc2: {  	_ =	task.clear_ibuf [dreg:s7], $0x2FFFF;
	_ =	strace $0x9FFFFFFF  }
0xc3: {  	(tm) =	ssettm $0x7FFFFFFF  }
tec
execute0_lowered:
.L_overlay_start_1:
0x0: {  	(tag) =	ssettag $0x1  }
0x1: {  	s5 =	rddreg [dreg:$0x0]  }
0x2: {  	s7 =	rddreg [dreg:$0x1]  }
0x3: {  	s1 =	rddreg [dreg:$0x2]  }
0x4: {  	s2 =	srdreg.scid;
	s0 =	rddreg [dreg:$0x3];
	s3 =	simm.s32 $0x0  }
0x5: {  	s16 =	simm.s32 $0x7D;
	s17 =	simm.s32 $0x2800;
	s6 =	sand.u32 $0x1, s2  }
0x6: {  	s18 =	simm.s32 $0x80;
	s2 =	stileid.u32;
	s8 =	smul.u32 $0x2800, s6  }
0x7: {  	s19 =	simm.s32 $0x6800;
	s20 =	simm.s32 $0x1;
	s9 =	smul.u32 $0x280, s2  }
0x8: {  	s21 =	simm.s32 $0x2;
	s22 =	simm.s32 $0x3;
	s11 =	smul.u32 $0x50000, s2  }
0x9: {  	s23 =	simm.s32 $0x4;
	s24 =	ssub.s32 $0x2, s6;
	s6 =	smul.u32 $0x500, s6  }
0xa: {  	[smem:$0x7FF] =	sst s3;
	s4 =	sadd.s32 $0x7200, s5;
	s28 =	smul.u32 $0x50, s2  }
0xb: {  	s10 =	sadd.s32 $0x2200, s5;
	_ =	strace $0x8000004A;
	s29 =	smul.u32 $0x2800, s2  }
0xc: {  	s30 =	sshll.u32 s2, $0x6;
	s15 =	smul.u32 $0x500, s2;
	s25 =	sshrl.u32 s24, $0x1  }
0xd: {  	s8 =	sadd.s32 s9, s8;
	s13 =	ssub.s32 s24, s25;
	s26 =	sshrl.u32 s11, $0x2  }
0xe: {  	s9 =	sadd.s32 s28, s6;
	s6 =	sor.u32 $0x1C05, s30;
	s31 =	sshrl.u32 s29, $0x3  }
0xf: {  	s24 =	simm.s32 $0x2700;
	s25 =	simm.s32 $0x2780;
	s8 =	sshll.u32 s8, $0x4  }
0x10: {  	s14 =	sadd.s32 s26, s1;
	s9 =	sshll.u32 s9, $0x4;
	s26 =	simm.s32 $0x0  }
0x11: {  	s12 =	sadd.s32 s8, s5;
	s5 =	sadd.s32 s4, s8;
	s7 =	sadd.s32 s7, s9  }
0x12: {  	s8 =	sadd.s32 s10, s15;
	s10 =	sadd.s32 s10, s31;
	s15 =	simm.s32 $0x1400  }
0x13: {  	s9 =	sadd.s32 $0x280, s7;
	s10 =	sadd.s32 $0x280, s10;
	s11 =	sadd.s32 $0xF7200, s12  }
0x14: {  	s12 =	smax.u32 s13, $0x1;
	s13 =	sshrl.u32 s14, $0x3;
	s14 =	simm.s32 $0x5  }
.LBB2_1:
0x15: {  	[spmem:s13], [sflag:s6] =	dma.local [hbm:s5], $0x2800  }
0x16: {  	_ =	swait.ge [sflag:s14], $0x2800  }
0x17: {  	[sflag:s14] =	ssyncset.done $0x0  }
0x18: {  	[sflag:s14] =	ssyncadd.s32 $0xFFFFD800  }
0x19: {  	[bflag:$0x0] =	sbarrier.arrive $0xFFFF  }
0x1a: {  	[tilespmem:s3], [sflag:$0x5] =	stream.linear.gather [hbm4b:s7+s3], $0x1400, $0x38;
	[tilespmem:$0x1E800] =	vst v63  }
0x1b: {  	_ =	swait.ge [sflag:s14], $0x1400  }
0x1c: {  	[sflag:s14] =	ssyncset.done $0x0  }
0x1d: {  	[sflag:s14] =	ssyncadd.s32 $0xFFFFEC00  }
0x1e: {  	[tilespmem:s15], [sflag:$0x5] =	stream.linear.gather [hbm4b:s8+s3], $0x1400, $0x38;
	[tilespmem:$0x1E800] =	vst v63  }
0x1f: {  	_ =	swait.ge [sflag:s14], $0x1400  }
0x20: {  	[sflag:s14] =	ssyncset.done $0x0  }
0x21: {  	[sflag:s14] =	ssyncadd.s32 $0xFFFFEC00  }
0x22: {  	[tilespmem:s17], [sflag:$0x1] =	stream.indirect.gather [hbm4b:s4+s16], $0x80, s3, s16, $0xb8;
	[tilespmem:$0x1E800] =	vst v63  }
0x23: {  	_ = 	snop  }
0x24: {  	[tilespmem:s19], [sflag:$0x2] =	stream.indirect.gather [hbm4b:s4+s16], $0x80, s18, s16, $0xb8;
	[tilespmem:$0x1E800] =	vst v63  }
0x25: {  	_ =	swait.ge [sflag:s20], $0x3E80  }
0x26: {  	[sflag:s20] =	ssyncset.done $0x0  }
0x27: {  	s28 =	simm.s32 $0x1400;
	[sflag:s20] =	ssyncadd.s32 $0xFFFFC180  }
0x28: {  	[spmem:s1] =	stream.indirect.scatter.add.f32 [tilespmem:s17], [sflag:$0x3], $0x80, s28, s16, $0xb8;
	[tilespmem:$0x1E800] =	vst v63  }
0x29: {  	_ =	swait.ge [sflag:s21], $0x3E80  }
0x2a: {  	[sflag:s21] =	ssyncset.done $0x0  }
0x2b: {  	s28 =	simm.s32 $0x1480;
	[sflag:s21] =	ssyncadd.s32 $0xFFFFC180  }
0x2c: {  	[spmem:s1] =	stream.indirect.scatter.add.f32 [tilespmem:s19], [sflag:$0x4], $0x80, s28, s16, $0xb8;
	[tilespmem:$0x1E800] =	vst v63  }
0x2d: {  	_ =	swait.ge [sflag:s22], $0x3E80  }
0x2e: {  	[sflag:s22] =	ssyncset.done $0x0  }
0x2f: {  	s28 =	simm.s32 $0x100;
	[sflag:s22] =	ssyncadd.s32 $0xFFFFC180  }
0x30: {  	[tilespmem:s17], [sflag:$0x1] =	stream.indirect.gather [hbm4b:s4+s16], $0x80, s28, s16, $0xb8;
	[tilespmem:$0x1E800] =	vst v63  }
0x31: {  	_ =	swait.ge [sflag:s23], $0x3E80  }
0x32: {  	[sflag:s23] =	ssyncset.done $0x0  }
0x33: {  	s29 =	simm.s32 $0x180;
	s28 =	simm.s32 $0x400;
	[sflag:s23] =	ssyncadd.s32 $0xFFFFC180  }
.LBB2_2:
0x34: {  	[tilespmem:s19], [sflag:$0x2] =	stream.indirect.gather [hbm4b:s4+s16], $0x80, s29, s16, $0xb8;
	[tilespmem:$0x1E800] =	vst v63  }
0x35: {  	s29 =	smov.u32 s28  }
0x36: {  	p0 =	sne.s32 s28, $0x4800;
	s28 =	sadd.s32 $0x400, s28;
	_ =	swait.ge [sflag:s20], $0x3E80  }
0x37: {  	s29 =	sshra.s32 s29, $0x2;
	[sflag:s20] =	ssyncset.done $0x0  }
0x38: {  	s30 =	sadd.s32 $0x1400, s29;
	[sflag:s20] =	ssyncadd.s32 $0xFFFFC180  }
0x39: {  	[spmem:s1] =	stream.indirect.scatter.add.f32 [tilespmem:s17], [sflag:$0x3], $0x80, s30, s16, $0xb8;
	[tilespmem:$0x1E800] =	vst v63  }
0x3a: {  	_ =	swait.ge [sflag:s21], $0x3E80  }
0x3b: {  	[sflag:s21] =	ssyncset.done $0x0  }
0x3c: {  	s30 =	sadd.s32 $0x1480, s29;
	[sflag:s21] =	ssyncadd.s32 $0xFFFFC180  }
0x3d: {  	[spmem:s1] =	stream.indirect.scatter.add.f32 [tilespmem:s19], [sflag:$0x4], $0x80, s30, s16, $0xb8;
	[tilespmem:$0x1E800] =	vst v63  }
0x3e: {  	_ =	swait.ge [sflag:s22], $0x3E80  }
0x3f: {  	[sflag:s22] =	ssyncset.done $0x0  }
.Ltmp0:
0x40: {  	s30 =	sadd.s32 $0x100, s29;
	[sflag:s22] =	ssyncadd.s32 $0xFFFFC180;
	(pc) =	sbr.rel @p0 .LBB2_2-.Ltmp0, $4  }
0x41: {  	[tilespmem:s17], [sflag:$0x1] =	stream.indirect.gather [hbm4b:s4+s16], $0x80, s30, s16, $0xb8;
	[tilespmem:$0x1E800] =	vst v63  }
0x42: {  	_ =	swait.ge [sflag:s23], $0x3E80  }
0x43: {  	[sflag:s23] =	ssyncset.done $0x0  }
0x44: {  	s29 =	sadd.s32 $0x180, s29;
	[sflag:s23] =	ssyncadd.s32 $0xFFFFC180  }
0x45: {  	[tilespmem:s19], [sflag:$0x2] =	stream.indirect.gather [hbm4b:s4+s16], $0x80, s29, s16, $0xb8;
	[tilespmem:$0x1E800] =	vst v63  }
0x46: {  	_ =	swait.ge [sflag:s20], $0x3E80  }
0x47: {  	[sflag:s20] =	ssyncset.done $0x0  }
0x48: {  	[sflag:s20] =	ssyncadd.s32 $0xFFFFC180  }
0x49: {  	[spmem:s1] =	stream.indirect.scatter.add.f32 [tilespmem:s17], [sflag:$0x3], $0x80, s24, s16, $0xb8;
	[tilespmem:$0x1E800] =	vst v63  }
0x4a: {  	_ =	swait.ge [sflag:s21], $0x3E80  }
0x4b: {  	[sflag:s21] =	ssyncset.done $0x0  }
0x4c: {  	[sflag:s21] =	ssyncadd.s32 $0xFFFFC180  }
0x4d: {  	[spmem:s1] =	stream.indirect.scatter.add.f32 [tilespmem:s19], [sflag:$0x4], $0x80, s25, s16, $0xb8;
	[tilespmem:$0x1E800] =	vst v63  }
0x4e: {  	_ =	swait.ge [sflag:s22], $0x3E80  }
0x4f: {  	[sflag:s22] =	ssyncset.done $0x0  }
0x50: {  	[sflag:s22] =	ssyncadd.s32 $0xFFFFC180  }
0x51: {  	_ =	swait.ge [sflag:s23], $0x3E80  }
0x52: {  	[sflag:s23] =	ssyncset.done $0x0  }
0x53: {  	s28 =	simm.s32 $0x0;
	[sflag:s23] =	ssyncadd.s32 $0xFFFFC180  }
0x54: {  	[tilespmem:s28], [sflag:$0x5] =	stream.linear.gather [hbm4b:s9+s28], $0x1400, $0x38;
	[tilespmem:$0x1E800] =	vst v63  }
0x55: {  	_ =	swait.ge [sflag:s14], $0x1400  }
0x56: {  	[sflag:s14] =	ssyncset.done $0x0  }
0x57: {  	[sflag:s14] =	ssyncadd.s32 $0xFFFFEC00  }
0x58: {  	[tilespmem:s15], [sflag:$0x5] =	stream.linear.gather [hbm4b:s10+s28], $0x1400, $0x38;
	[tilespmem:$0x1E800] =	vst v63  }
0x59: {  	_ =	swait.ge [sflag:s14], $0x1400  }
0x5a: {  	[sflag:s14] =	ssyncset.done $0x0  }
0x5b: {  	[sflag:s14] =	ssyncadd.s32 $0xFFFFEC00  }
0x5c: {  	[tilespmem:s17], [sflag:$0x1] =	stream.indirect.gather [hbm4b:s4+s16], $0x80, s28, s16, $0xb8;
	[tilespmem:$0x1E800] =	vst v63  }
0x5d: {  	_ = 	snop  }
0x5e: {  	[tilespmem:s19], [sflag:$0x2] =	stream.indirect.gather [hbm4b:s4+s16], $0x80, s18, s16, $0xb8;
	[tilespmem:$0x1E800] =	vst v63  }
0x5f: {  	_ =	swait.ge [sflag:s20], $0x3E80  }
0x60: {  	[sflag:s20] =	ssyncset.done $0x0  }
0x61: {  	s28 =	simm.s32 $0x1400;
	[sflag:s20] =	ssyncadd.s32 $0xFFFFC180  }
0x62: {  	[spmem:s1] =	stream.indirect.scatter.add.f32 [tilespmem:s17], [sflag:$0x3], $0x80, s28, s16, $0xb8;
	[tilespmem:$0x1E800] =	vst v63  }
0x63: {  	_ =	swait.ge [sflag:s21], $0x3E80  }
0x64: {  	[sflag:s21] =	ssyncset.done $0x0  }
0x65: {  	s28 =	simm.s32 $0x1480;
	[sflag:s21] =	ssyncadd.s32 $0xFFFFC180  }
0x66: {  	[spmem:s1] =	stream.indirect.scatter.add.f32 [tilespmem:s19], [sflag:$0x4], $0x80, s28, s16, $0xb8;
	[tilespmem:$0x1E800] =	vst v63  }
0x67: {  	_ =	swait.ge [sflag:s22], $0x3E80  }
0x68: {  	[sflag:s22] =	ssyncset.done $0x0  }
0x69: {  	s28 =	simm.s32 $0x100;
	[sflag:s22] =	ssyncadd.s32 $0xFFFFC180  }
0x6a: {  	[tilespmem:s17], [sflag:$0x1] =	stream.indirect.gather [hbm4b:s4+s16], $0x80, s28, s16, $0xb8;
	[tilespmem:$0x1E800] =	vst v63  }
0x6b: {  	_ =	swait.ge [sflag:s23], $0x3E80  }
0x6c: {  	[sflag:s23] =	ssyncset.done $0x0  }
0x6d: {  	s29 =	simm.s32 $0x180;
	s28 =	simm.s32 $0x400;
	[sflag:s23] =	ssyncadd.s32 $0xFFFFC180  }
.LBB2_4:
0x6e: {  	[tilespmem:s19], [sflag:$0x2] =	stream.indirect.gather [hbm4b:s4+s16], $0x80, s29, s16, $0xb8;
	[tilespmem:$0x1E800] =	vst v63  }
0x6f: {  	s29 =	smov.u32 s28  }
0x70: {  	p0 =	sne.s32 s28, $0x4800;
	s28 =	sadd.s32 $0x400, s28;
	_ =	swait.ge [sflag:s20], $0x3E80  }
0x71: {  	s29 =	sshra.s32 s29, $0x2;
	[sflag:s20] =	ssyncset.done $0x0  }
0x72: {  	s30 =	sadd.s32 $0x1400, s29;
	[sflag:s20] =	ssyncadd.s32 $0xFFFFC180  }
0x73: {  	[spmem:s1] =	stream.indirect.scatter.add.f32 [tilespmem:s17], [sflag:$0x3], $0x80, s30, s16, $0xb8;
	[tilespmem:$0x1E800] =	vst v63  }
0x74: {  	_ =	swait.ge [sflag:s21], $0x3E80  }
0x75: {  	[sflag:s21] =	ssyncset.done $0x0  }
0x76: {  	s30 =	sadd.s32 $0x1480, s29;
	[sflag:s21] =	ssyncadd.s32 $0xFFFFC180  }
0x77: {  	[spmem:s1] =	stream.indirect.scatter.add.f32 [tilespmem:s19], [sflag:$0x4], $0x80, s30, s16, $0xb8;
	[tilespmem:$0x1E800] =	vst v63  }
0x78: {  	_ =	swait.ge [sflag:s22], $0x3E80  }
0x79: {  	[sflag:s22] =	ssyncset.done $0x0  }
.Ltmp1:
0x7a: {  	s30 =	sadd.s32 $0x100, s29;
	[sflag:s22] =	ssyncadd.s32 $0xFFFFC180;
	(pc) =	sbr.rel @p0 .LBB2_4-.Ltmp1, $4  }
0x7b: {  	[tilespmem:s17], [sflag:$0x1] =	stream.indirect.gather [hbm4b:s4+s16], $0x80, s30, s16, $0xb8;
	[tilespmem:$0x1E800] =	vst v63  }
0x7c: {  	_ =	swait.ge [sflag:s23], $0x3E80  }
0x7d: {  	[sflag:s23] =	ssyncset.done $0x0  }
0x7e: {  	s29 =	sadd.s32 $0x180, s29;
	[sflag:s23] =	ssyncadd.s32 $0xFFFFC180  }
0x7f: {  	[tilespmem:s19], [sflag:$0x2] =	stream.indirect.gather [hbm4b:s4+s16], $0x80, s29, s16, $0xb8;
	[tilespmem:$0x1E800] =	vst v63  }
0x80: {  	_ =	swait.ge [sflag:s20], $0x3E80  }
0x81: {  	[sflag:s20] =	ssyncset.done $0x0  }
0x82: {  	[sflag:s20] =	ssyncadd.s32 $0xFFFFC180  }
0x83: {  	[spmem:s1] =	stream.indirect.scatter.add.f32 [tilespmem:s17], [sflag:$0x3], $0x80, s24, s16, $0xb8;
	[tilespmem:$0x1E800] =	vst v63  }
0x84: {  	_ =	swait.ge [sflag:s21], $0x3E80  }
0x85: {  	[sflag:s21] =	ssyncset.done $0x0  }
0x86: {  	[sflag:s21] =	ssyncadd.s32 $0xFFFFC180  }
0x87: {  	[spmem:s1] =	stream.indirect.scatter.add.f32 [tilespmem:s19], [sflag:$0x4], $0x80, s25, s16, $0xb8;
	[tilespmem:$0x1E800] =	vst v63  }
0x88: {  	_ =	swait.ge [sflag:s22], $0x3E80  }
0x89: {  	[sflag:s22] =	ssyncset.done $0x0  }
0x8a: {  	[sflag:s22] =	ssyncadd.s32 $0xFFFFC180  }
0x8b: {  	_ =	swait.ge [sflag:s23], $0x3E80  }
0x8c: {  	s26 =	sadd.s32 $0x1, s26;
	[sflag:s23] =	ssyncset.done $0x0  }
0x8d: {  	p0 =	sne.s32 s26, s12;
	[sflag:s23] =	ssyncadd.s32 $0xFFFFC180  }
.Ltmp2:
0x8e: {  	[bflag:$0x0] =	sbarrier.arrive $0xFFFF;
	(pc) =	sbr.rel @p0 .LBB2_1-.Ltmp2, $4  }
0x8f: {  	[hbm:s11], [sflag:s6] =	dma.local [spmem:s13], $0x2800  }
0x90: {  	_ =	swait.ge [sflag:s14], $0x2800  }
0x91: {  	[sflag:s14] =	ssyncset.done $0x0  }
0x92: {  	[sflag:s14] =	ssyncadd.s32 $0xFFFFD800  }
0x93: {  	_ =	sfence.sel $0x180000  }
0x94: {  	[bflag:$0x0] =	sbarrier.arrive $0xFFFF  }
0x95: {  	p0 =	sne.s32 s2, $0x0;
	_ =	strace $0x9000004A  }
0x96: {  	s0 =	sadd.s32 @!p0 $0x100000, s0;
	[bflag:$0x2] =	sbarrier.arrive $0xFFFF  }
0x97: {  	[sflag:s0] =	ssyncadd.tile.s32 @!p0 $0x1;
	_ =	shalt  }
.Lfunc_end2:
_tile_overlayer_lowered:
.L_overlay_start_2:
0x98: {  	(tag) =	ssettag $0x2  }
0x99: {  	s0 =	rddreg [dreg:$0x0];
	s2 =	stileid.u32  }
0x9a: {  	s1 =	rddreg [dreg:$0x1];
	p0 =	sne.s32 s2, $0x0  }
0x9b: {  	s3 =	rddreg [dreg:$0x2];
	[bflag:$0x3] =	sbarrier.arrive $0xFFFF;
	s2 =	simm.s32 @!p0 $0x1C05  }
0x9c: {  	[timem:s3], [sflag:s2] =	dma.local @!p0 [hbm:s0], s1  }
0x9d: {  	s0 =	simm.s32 @!p0 $0x5  }
0x9e: {  	_ =	swait.ge @!p0 [sflag:s0], s1  }
0x9f: {  	s1 =	ssub.s32 @!p0 $0x0, s1;
	[sflag:s0] =	ssyncset.done @!p0 $0x0  }
0xa0: {  	[sflag:s0] =	ssyncadd.s32 @!p0 s1  }
0xa1: {  	[bflag:$0x3] =	sbarrier.arrive $0xFFFF  }
0xa2: {  	_ =	shalt  }

// kernel: kernel.15.cloned.1.call-start
scs
__scs_entry_jumppad:
0x0: {  	(pc) =	sbr.rel $0x88, $3  }
0x1: {  	(tag) =	ssettag $0x0;
	lr =	simm.s32 $0x1  }
0x2: {  	[smem:$0x3F95] =	sst lr;
	_ =	strace $0xD0000000  }
0x3: {  	_ = 	snop  }
0x4: {  	_ = 	snop  }
0x5: {  	_ = 	snop  }
0x6: {  	_ = 	snop  }
0x7: {  	_ = 	snop  }
__scs_overlays_trampoline_lowered:
0x8: {  	[smem:$0x3FA4] =	sst s0  }
0x9: {  	[smem:$0x3FA5] =	sst s1  }
0xa: {  	[smem:$0x3FA6] =	sst s2  }
0xb: {  	[smem:$0x3FA7] =	sst s3  }
0xc: {  	[smem:$0x3FA8] =	sst s4  }
0xd: {  	[smem:$0x3FA9] =	sst s5  }
0xe: {  	[smem:$0x3FAA] =	sst s6  }
0xf: {  	[smem:$0x3FAB] =	sst s7  }
0x10: {  	[smem:$0x3FAC] =	sst s8  }
0x11: {  	[smem:$0x3FAD] =	sst s9;
	s0 =	simm.s32 @!p0 $0x0  }
0x12: {  	s1 =	sld [smem:$0x3F93];
	s0 =	simm.s32 @p0 $0x1  }
0x13: {  	[smem:$0x3FAE] =	sst s0;
	s0 =	simm.s32 @!p1 $0x0  }
0x14: {  	s2 =	sld [smem:$0x3F92];
	s0 =	simm.s32 @p1 $0x1  }
0x15: {  	[smem:$0x3FAF] =	sst s0;
	s0 =	simm.s32 @!p2 $0x0  }
0x16: {  	s3 =	sld [smem:$0x3FDB];
	s0 =	simm.s32 @p2 $0x1  }
0x17: {  	s4 =	simm.s32 $0x1BF5;
	[smem:$0x3FB1] =	sst s0  }
0x18: {  	s0 =	sld [smem:$0x3F94];
	_ =	swait.ge [sflag:s4], $0x0  }
0x19: {  	s7 =	sld [smem:$0x3F95]  }
0x1a: {  	s8 =	sadd.s32 $0xFFFFE003, lr  }
0x1b: {  	s9 =	sadd.s32 $0xFFFFFEF7, lr;
	s5 =	simm.s32 $0xFFFFFFFF;
	p2 =	slt.u32 s8, $0xFFFFF086  }
0x1c: {  	p1 =	slt.u32 s9, $0xF7A;
	s5 =	simm.s32 @!p2 $0x0  }
0x1d: {  	s5 =	simm.s32 @p1 $0x1;
	p0 =	seq.s32 s7, s2  }
0x1e: {  	s7 =	smul.u32 @!p0 $0xF7A, s2;
	p2 =	seq.s32 @!p0 s5, $0x0  }
0x1f: {  	s9 =	smul.u32 $0xF7A, s1;
	s8 =	simm.s32 @!p0 $0x1BF5;
	p2 =	por !p2, p0  }
0x20: {  	[sflag:s8] =	ssyncset.s32 @!p0 $0xFFFFF086;
	s6 =	sadd.s32 @!p0 s3, s7;
	s7 =	simm.s32 @!p0 $0x108  }
0x21: {  	s3 =	sadd.s32 s3, s9;
	s6 =	sadd.s32 @!p0 $0x88, s6;
	s7 =	simm.s32 @p2 $0x1082  }
0x22: {  	[simem:s7], [sflag:s8] =	dma.local @!p0 [hbm:s6], $0xF7A  }
0x23: {  	s9 =	sor.u32 $0xD0000000, s2;
	s6 =	simm.s32 $0x108;
	_ =	swait.ge @!p0 [sflag:s8], $0x0  }
0x24: {  	s3 =	sadd.s32 $0x88, s3;
	s6 =	simm.s32 @!p1 $0x1082;
	[sflag:s4] =	ssyncset.s32 $0xFFFFF086  }
0x25: {  	[simem:s6], [sflag:s4] =	dma.local [hbm:s3], $0xF7A  }
0x26: {  	[smem:$0x3F95] =	sst s1;
	(tag) =	ssettag s2;
	_ =	strace s9  }
0x27: {  	s1 =	sld [smem:$0x3FA5]  }
0x28: {  	s2 =	sld [smem:$0x3FA6]  }
0x29: {  	s4 =	sld [smem:$0x3FA8]  }
0x2a: {  	p0 =	seq.s32 s5, $0x0;
	s5 =	sld [smem:$0x3FA9]  }
0x2b: {  	s6 =	sld [smem:$0x3FAA]  }
0x2c: {  	s7 =	sld [smem:$0x3FAB]  }
0x2d: {  	s3 =	simm.s32 $0x108;
	s8 =	sld [smem:$0x3FAC]  }
0x2e: {  	s3 =	simm.s32 @!p0 $0x1082;
	s9 =	sld [smem:$0x3FAD]  }
0x2f: {  	lr =	sadd.s32 s0, s3;
	s0 =	sld [smem:$0x3FA4]  }
0x30: {  	s3 =	sld [smem:$0x3FA7]  }
0x31: {  	[smem:$0x3FB0] =	sst s10  }
0x32: {  	s10 =	sld [smem:$0x3FAE];
	_ =	sdelay $0x3  }
0x33: {  	p0 =	seq.s32 s10, $0x1;
	s10 =	sld [smem:$0x3FB0];
	_ =	sdelay $0x3  }
0x34: {  	[smem:$0x3FB0] =	sst s10  }
0x35: {  	s10 =	sld [smem:$0x3FAF];
	_ =	sdelay $0x3  }
0x36: {  	p1 =	seq.s32 s10, $0x1;
	s10 =	sld [smem:$0x3FB0];
	_ =	sdelay $0x3  }
0x37: {  	[smem:$0x3FB0] =	sst s10  }
0x38: {  	s10 =	sld [smem:$0x3FB1]  }
0x39: {  	_ = 	snop;
	(pc) =	sbr.ind lr, $3  }
0x3a: {  	_ = 	snop  }
0x3b: {  	_ = 	snop  }
0x3c: {  	p2 =	seq.s32 s10, $0x1;
	s10 =	sld [smem:$0x3FB0]  }
0x3d: {  	_ =	shalt  }
0x3e: {  	_ =	shalt  }
0x3f: {  	_ =	shalt  }
0x40: {  	_ =	shalt  }
0x41: {  	_ =	shalt  }
0x42: {  	_ =	shalt  }
0x43: {  	_ =	shalt  }
0x44: {  	_ =	shalt  }
0x45: {  	_ =	shalt  }
0x46: {  	_ =	shalt  }
0x47: {  	_ =	shalt  }
0x48: {  	_ =	shalt  }
0x49: {  	_ =	shalt  }
0x4a: {  	_ =	shalt  }
0x4b: {  	_ =	shalt  }
0x4c: {  	_ =	shalt  }
0x4d: {  	_ =	shalt  }
0x4e: {  	_ =	shalt  }
0x4f: {  	_ =	shalt  }
0x50: {  	_ =	shalt  }
0x51: {  	_ =	shalt  }
0x52: {  	_ =	shalt  }
0x53: {  	_ =	shalt  }
0x54: {  	_ =	shalt  }
0x55: {  	_ =	shalt  }
0x56: {  	_ =	shalt  }
0x57: {  	_ =	shalt  }
0x58: {  	_ =	shalt  }
0x59: {  	_ =	shalt  }
0x5a: {  	_ =	shalt  }
0x5b: {  	_ =	shalt  }
0x5c: {  	_ =	shalt  }
0x5d: {  	_ =	shalt  }
0x5e: {  	_ =	shalt  }
0x5f: {  	_ =	shalt  }
0x60: {  	_ =	shalt  }
0x61: {  	_ =	shalt  }
0x62: {  	_ =	shalt  }
0x63: {  	_ =	shalt  }
0x64: {  	_ =	shalt  }
0x65: {  	_ =	shalt  }
0x66: {  	_ =	shalt  }
0x67: {  	_ =	shalt  }
0x68: {  	_ =	shalt  }
0x69: {  	_ =	shalt  }
0x6a: {  	_ =	shalt  }
0x6b: {  	_ =	shalt  }
0x6c: {  	_ =	shalt  }
0x6d: {  	_ =	shalt  }
0x6e: {  	_ =	shalt  }
0x6f: {  	_ =	shalt  }
0x70: {  	_ =	shalt  }
0x71: {  	_ =	shalt  }
0x72: {  	_ =	shalt  }
0x73: {  	_ =	shalt  }
0x74: {  	_ =	shalt  }
0x75: {  	_ =	shalt  }
0x76: {  	_ =	shalt  }
0x77: {  	_ =	shalt  }
0x78: {  	_ =	shalt  }
0x79: {  	_ =	shalt  }
0x7a: {  	_ =	shalt  }
0x7b: {  	_ =	shalt  }
0x7c: {  	_ =	shalt  }
0x7d: {  	_ =	shalt  }
0x7e: {  	_ =	shalt  }
0x7f: {  	_ =	shalt  }
0x80: {  	_ =	shalt  }
0x81: {  	_ =	shalt  }
0x82: {  	_ =	shalt  }
0x83: {  	_ =	shalt  }
0x84: {  	_ =	shalt  }
0x85: {  	_ =	shalt  }
0x86: {  	_ =	shalt  }
0x87: {  	_ =	shalt  }
.Lfunc_end0:
.L_simem_size_0:
called_computation.2_lowered:
.L_overlay_start_0:
0x88: {  	s2 =	sld [smem:$0x3FD9]  }
0x89: {  	s3 =	sld [smem:$0x3FFE];
	_ =	sdelay $0x1  }
0x8a: {  	s1 =	srdreg.scid  }
0x8b: {  	s0 =	sand.u32 $0x1, s1  }
0x8c: {  	s17 =	sshll.u32 s0, $0xA;
	s2 =	sadd.s32 s3, s2  }
0x8d: {  	s2 =	sadd.s32 s2, s17  }
0x8e: {  	[smem:$0x3FBC] =	sst s2  }
0x8f: {  	_ = 	snop  }
0x90: {  	s2 =	sld [smem:$0x3FD0];
	(tm) =	ssettm $0x1  }
0x91: {  	s18 =	sld [smem:$0x3FFB];
	_ =	sdelay $0x3  }
0x92: {  	_ =	strace s18  }
0x93: {  	s3 =	sld [smem:$0x3FFC];
	_ =	sdelay $0x3  }
0x94: {  	_ =	strace s3  }
0x95: {  	s3 =	sld [smem:$0x3FFD];
	_ =	sdelay $0x3  }
0x96: {  	_ =	strace s3  }
0x97: {  	_ =	strace $0x8FFFFFFF  }
0x98: {  	s19 =	sld [smem:$0x3FDB];
	_ =	sdelay $0x1  }
0x99: {  	s4 =	simm.s32 $_scs_section_size  }
0x9a: {  	s5 =	simm.s32 $_size__tile_overlayer_lowered;
	s6 =	simm.s32 $_tile_overlayer_lowered  }
0x9b: {  	s22 =	simm.s32 $0x1BFF;
	s21 =	sshll.u32 s6, $0x1;
	s3 =	sadd.s32 s4, s19  }
0x9c: {  	s7 =	simm.s32 $0x0;
	s20 =	sshll.u32 s5, $0x1;
	s5 =	sadd.s32 s21, s3  }
0x9d: {  	[timem:s7], [sflag:s22] =	dma.local [hbm:s5], s20  }
0x9e: {  	_ =	swait.ge [sflag:s22], s20  }
0x9f: {  	s4 =	ssub.s32 $0x0, s20;
	[sflag:s22] =	ssyncset.done $0x0  }
0xa0: {  	[sflag:s22] =	ssyncadd.s32 s4;
	_ =	sdelay $0x1  }
0xa1: {  	s23 =	simm.s32 $0x1B8B  }
0xa2: {  	_ =	swait.ge [sflag:s23], $0x1  }
0xa3: {  	[sflag:s23] =	ssyncset.done $0x0  }
0xa4: {  	s25 =	simm.s32 $0x1B8E;
	s24 =	sld [smem:$0x3FFE];
	[sflag:s23] =	ssyncadd.s32 $0xFFFFFFFF  }
0xa5: {  	s26 =	simm.s32 $execute0_lowered;
	[smem:$0x3FD2] =	sst s25  }
0xa6: {  	s5 =	sshll.u32 s26, $0x1;
	_ =	strace $0x8000004C;
	[dreg:$0x1] =	wrdreg $0xFFFFFFFF  }
0xa7: {  	s28 =	simm.s32 $_size_execute0_lowered;
	s3 =	sadd.s32 s3, s5;
	[dreg:$0x0] =	wrdreg $0x0  }
0xa8: {  	s5 =	sshll.u32 s28, $0x1;
	[dreg:$0x2] =	wrdreg s3  }
0xa9: {  	[dreg:$0x3] =	wrdreg s5  }
0xaa: {  	[dreg:$0x4] =	wrdreg $0xC0  }
0xab: {  	_ =	task [dreg:s7], $0x5FFFF  }
0xac: {  	[dreg:$0x1] =	wrdreg $0xFFFFFFFF  }
0xad: {  	[dreg:$0x0] =	wrdreg $0x60  }
0xae: {  	[dreg:$0x2] =	wrdreg s24  }
0xaf: {  	[dreg:$0x3] =	wrdreg s2  }
0xb0: {  	[dreg:$0x4] =	wrdreg $0xA8000  }
0xb1: {  	[dreg:$0x5] =	wrdreg $0x9  }
0xb2: {  	_ =	task.clear_ibuf [dreg:s7], $0x6FFFF;
	_ =	strace $0x9000004C  }
0xb3: {  	s29 =	simm.s32 $0x9;
	_ =	strace $0x8000004E  }
0xb4: {  	_ =	swait.ge [sflag:s29], $0x1  }
0xb5: {  	[sflag:s29] =	ssyncadd.s32 $0xFFFFFFFF  }
0xb6: {  	_ =	strace $0x9000004E  }
0xb7: {  	_ =	sfence  }
0xb8: {  	s30 =	sld [smem:$0x0];
	_ =	sdelay $0x2  }
0xb9: {  	s31 =	sshll.u32 s1, $0xD;
	s1 =	sshrl.u32 s1, $0x2  }
0xba: {  	s3 =	sand.u32 $0x4000, s31;
	s1 =	sadd.s32 s1, s30  }
0xbb: {  	s0 =	sor.u32 s3, s0;
	s1 =	sshll.u32 s1, $0x11  }
0xbc: {  	s0 =	sor.u32 s1, s0  }
0xbd: {  	s0 =	sadd.s32 $0x8F2B, s0  }
0xbe: {  	[sflag:s0] =	ssyncadd.remote.s32 $0x1  }
0xbf: {  	_ =	sfence.sel $0xFFFF  }
0xc0: {  	[dreg:$0x0] =	wrdreg $0xFFFFFFFF;
	(pc) =	sbr.abs _section_cstart, $3  }
0xc1: {  	[dreg:$0x1] =	wrdreg $0xFFFFFFFF  }
0xc2: {  	_ =	task.clear_ibuf [dreg:s7], $0x2FFFF;
	_ =	strace $0x9FFFFFFF  }
0xc3: {  	(tm) =	ssettm $0x7FFFFFFF  }
tec
execute0_lowered:
.L_overlay_start_1:
0x0: {  	(tag) =	ssettag $0x1  }
0x1: {  	s5 =	rddreg [dreg:$0x0]  }
0x2: {  	s7 =	rddreg [dreg:$0x1]  }
0x3: {  	s1 =	rddreg [dreg:$0x2]  }
0x4: {  	s2 =	srdreg.scid;
	s0 =	rddreg [dreg:$0x3];
	s3 =	simm.s32 $0x0  }
0x5: {  	s16 =	simm.s32 $0x7D;
	s17 =	simm.s32 $0x2800;
	s6 =	sand.u32 $0x1, s2  }
0x6: {  	s18 =	simm.s32 $0x80;
	s2 =	stileid.u32;
	s8 =	smul.u32 $0x2800, s6  }
0x7: {  	s19 =	simm.s32 $0x6800;
	s20 =	simm.s32 $0x1;
	s9 =	smul.u32 $0x280, s2  }
0x8: {  	s21 =	simm.s32 $0x2;
	s22 =	simm.s32 $0x3;
	s11 =	smul.u32 $0x50000, s2  }
0x9: {  	s23 =	simm.s32 $0x4;
	s24 =	ssub.s32 $0x2, s6;
	s6 =	smul.u32 $0x500, s6  }
0xa: {  	[smem:$0x7FF] =	sst s3;
	s4 =	sadd.s32 $0x7200, s5;
	s28 =	smul.u32 $0x50, s2  }
0xb: {  	s10 =	sadd.s32 $0x2200, s5;
	_ =	strace $0x8000004D;
	s29 =	smul.u32 $0x2800, s2  }
0xc: {  	s30 =	sshll.u32 s2, $0x6;
	s15 =	smul.u32 $0x500, s2;
	s25 =	sshrl.u32 s24, $0x1  }
0xd: {  	s8 =	sadd.s32 s9, s8;
	s13 =	ssub.s32 s24, s25;
	s26 =	sshrl.u32 s11, $0x2  }
0xe: {  	s9 =	sadd.s32 s28, s6;
	s6 =	sor.u32 $0x1C05, s30;
	s31 =	sshrl.u32 s29, $0x3  }
0xf: {  	s24 =	simm.s32 $0x2700;
	s25 =	simm.s32 $0x2780;
	s8 =	sshll.u32 s8, $0x4  }
0x10: {  	s14 =	sadd.s32 s26, s1;
	s9 =	sshll.u32 s9, $0x4;
	s26 =	simm.s32 $0x0  }
0x11: {  	s12 =	sadd.s32 s8, s5;
	s5 =	sadd.s32 s4, s8;
	s7 =	sadd.s32 s7, s9  }
0x12: {  	s8 =	sadd.s32 s10, s15;
	s10 =	sadd.s32 s10, s31;
	s15 =	simm.s32 $0x1400  }
0x13: {  	s9 =	sadd.s32 $0x280, s7;
	s10 =	sadd.s32 $0x280, s10;
	s11 =	sadd.s32 $0xF7200, s12  }
0x14: {  	s12 =	smax.u32 s13, $0x1;
	s13 =	sshrl.u32 s14, $0x3;
	s14 =	simm.s32 $0x5  }
.LBB2_1:
0x15: {  	[spmem:s13], [sflag:s6] =	dma.local [hbm:s5], $0x2800  }
0x16: {  	_ =	swait.ge [sflag:s14], $0x2800  }
0x17: {  	[sflag:s14] =	ssyncset.done $0x0  }
0x18: {  	[sflag:s14] =	ssyncadd.s32 $0xFFFFD800  }
0x19: {  	[bflag:$0x0] =	sbarrier.arrive $0xFFFF  }
0x1a: {  	[tilespmem:s3], [sflag:$0x5] =	stream.linear.gather [hbm4b:s7+s3], $0x1400, $0x38;
	[tilespmem:$0x1E800] =	vst v63  }
0x1b: {  	_ =	swait.ge [sflag:s14], $0x1400  }
0x1c: {  	[sflag:s14] =	ssyncset.done $0x0  }
0x1d: {  	[sflag:s14] =	ssyncadd.s32 $0xFFFFEC00  }
0x1e: {  	[tilespmem:s15], [sflag:$0x5] =	stream.linear.gather [hbm4b:s8+s3], $0x1400, $0x38;
	[tilespmem:$0x1E800] =	vst v63  }
0x1f: {  	_ =	swait.ge [sflag:s14], $0x1400  }
0x20: {  	[sflag:s14] =	ssyncset.done $0x0  }
0x21: {  	[sflag:s14] =	ssyncadd.s32 $0xFFFFEC00  }
0x22: {  	[tilespmem:s17], [sflag:$0x1] =	stream.indirect.gather [hbm4b:s4+s16], $0x80, s3, s16, $0xb8;
	[tilespmem:$0x1E800] =	vst v63  }
0x23: {  	_ = 	snop  }
0x24: {  	[tilespmem:s19], [sflag:$0x2] =	stream.indirect.gather [hbm4b:s4+s16], $0x80, s18, s16, $0xb8;
	[tilespmem:$0x1E800] =	vst v63  }
0x25: {  	_ =	swait.ge [sflag:s20], $0x3E80  }
0x26: {  	[sflag:s20] =	ssyncset.done $0x0  }
0x27: {  	s28 =	simm.s32 $0x1400;
	[sflag:s20] =	ssyncadd.s32 $0xFFFFC180  }
0x28: {  	[spmem:s1] =	stream.indirect.scatter.add.f32 [tilespmem:s17], [sflag:$0x3], $0x80, s28, s16, $0xb8;
	[tilespmem:$0x1E800] =	vst v63  }
0x29: {  	_ =	swait.ge [sflag:s21], $0x3E80  }
0x2a: {  	[sflag:s21] =	ssyncset.done $0x0  }
0x2b: {  	s28 =	simm.s32 $0x1480;
	[sflag:s21] =	ssyncadd.s32 $0xFFFFC180  }
0x2c: {  	[spmem:s1] =	stream.indirect.scatter.add.f32 [tilespmem:s19], [sflag:$0x4], $0x80, s28, s16, $0xb8;
	[tilespmem:$0x1E800] =	vst v63  }
0x2d: {  	_ =	swait.ge [sflag:s22], $0x3E80  }
0x2e: {  	[sflag:s22] =	ssyncset.done $0x0  }
0x2f: {  	s28 =	simm.s32 $0x100;
	[sflag:s22] =	ssyncadd.s32 $0xFFFFC180  }
0x30: {  	[tilespmem:s17], [sflag:$0x1] =	stream.indirect.gather [hbm4b:s4+s16], $0x80, s28, s16, $0xb8;
	[tilespmem:$0x1E800] =	vst v63  }
0x31: {  	_ =	swait.ge [sflag:s23], $0x3E80  }
0x32: {  	[sflag:s23] =	ssyncset.done $0x0  }
0x33: {  	s29 =	simm.s32 $0x180;
	s28 =	simm.s32 $0x400;
	[sflag:s23] =	ssyncadd.s32 $0xFFFFC180  }
.LBB2_2:
0x34: {  	[tilespmem:s19], [sflag:$0x2] =	stream.indirect.gather [hbm4b:s4+s16], $0x80, s29, s16, $0xb8;
	[tilespmem:$0x1E800] =	vst v63  }
0x35: {  	s29 =	smov.u32 s28  }
0x36: {  	p0 =	sne.s32 s28, $0x4800;
	s28 =	sadd.s32 $0x400, s28;
	_ =	swait.ge [sflag:s20], $0x3E80  }
0x37: {  	s29 =	sshra.s32 s29, $0x2;
	[sflag:s20] =	ssyncset.done $0x0  }
0x38: {  	s30 =	sadd.s32 $0x1400, s29;
	[sflag:s20] =	ssyncadd.s32 $0xFFFFC180  }
0x39: {  	[spmem:s1] =	stream.indirect.scatter.add.f32 [tilespmem:s17], [sflag:$0x3], $0x80, s30, s16, $0xb8;
	[tilespmem:$0x1E800] =	vst v63  }
0x3a: {  	_ =	swait.ge [sflag:s21], $0x3E80  }
0x3b: {  	[sflag:s21] =	ssyncset.done $0x0  }
0x3c: {  	s30 =	sadd.s32 $0x1480, s29;
	[sflag:s21] =	ssyncadd.s32 $0xFFFFC180  }
0x3d: {  	[spmem:s1] =	stream.indirect.scatter.add.f32 [tilespmem:s19], [sflag:$0x4], $0x80, s30, s16, $0xb8;
	[tilespmem:$0x1E800] =	vst v63  }
0x3e: {  	_ =	swait.ge [sflag:s22], $0x3E80  }
0x3f: {  	[sflag:s22] =	ssyncset.done $0x0  }
.Ltmp0:
0x40: {  	s30 =	sadd.s32 $0x100, s29;
	[sflag:s22] =	ssyncadd.s32 $0xFFFFC180;
	(pc) =	sbr.rel @p0 .LBB2_2-.Ltmp0, $4  }
0x41: {  	[tilespmem:s17], [sflag:$0x1] =	stream.indirect.gather [hbm4b:s4+s16], $0x80, s30, s16, $0xb8;
	[tilespmem:$0x1E800] =	vst v63  }
0x42: {  	_ =	swait.ge [sflag:s23], $0x3E80  }
0x43: {  	[sflag:s23] =	ssyncset.done $0x0  }
0x44: {  	s29 =	sadd.s32 $0x180, s29;
	[sflag:s23] =	ssyncadd.s32 $0xFFFFC180  }
0x45: {  	[tilespmem:s19], [sflag:$0x2] =	stream.indirect.gather [hbm4b:s4+s16], $0x80, s29, s16, $0xb8;
	[tilespmem:$0x1E800] =	vst v63  }
0x46: {  	_ =	swait.ge [sflag:s20], $0x3E80  }
0x47: {  	[sflag:s20] =	ssyncset.done $0x0  }
0x48: {  	[sflag:s20] =	ssyncadd.s32 $0xFFFFC180  }
0x49: {  	[spmem:s1] =	stream.indirect.scatter.add.f32 [tilespmem:s17], [sflag:$0x3], $0x80, s24, s16, $0xb8;
	[tilespmem:$0x1E800] =	vst v63  }
0x4a: {  	_ =	swait.ge [sflag:s21], $0x3E80  }
0x4b: {  	[sflag:s21] =	ssyncset.done $0x0  }
0x4c: {  	[sflag:s21] =	ssyncadd.s32 $0xFFFFC180  }
0x4d: {  	[spmem:s1] =	stream.indirect.scatter.add.f32 [tilespmem:s19], [sflag:$0x4], $0x80, s25, s16, $0xb8;
	[tilespmem:$0x1E800] =	vst v63  }
0x4e: {  	_ =	swait.ge [sflag:s22], $0x3E80  }
0x4f: {  	[sflag:s22] =	ssyncset.done $0x0  }
0x50: {  	[sflag:s22] =	ssyncadd.s32 $0xFFFFC180  }
0x51: {  	_ =	swait.ge [sflag:s23], $0x3E80  }
0x52: {  	[sflag:s23] =	ssyncset.done $0x0  }
0x53: {  	s28 =	simm.s32 $0x0;
	[sflag:s23] =	ssyncadd.s32 $0xFFFFC180  }
0x54: {  	[tilespmem:s28], [sflag:$0x5] =	stream.linear.gather [hbm4b:s9+s28], $0x1400, $0x38;
	[tilespmem:$0x1E800] =	vst v63  }
0x55: {  	_ =	swait.ge [sflag:s14], $0x1400  }
0x56: {  	[sflag:s14] =	ssyncset.done $0x0  }
0x57: {  	[sflag:s14] =	ssyncadd.s32 $0xFFFFEC00  }
0x58: {  	[tilespmem:s15], [sflag:$0x5] =	stream.linear.gather [hbm4b:s10+s28], $0x1400, $0x38;
	[tilespmem:$0x1E800] =	vst v63  }
0x59: {  	_ =	swait.ge [sflag:s14], $0x1400  }
0x5a: {  	[sflag:s14] =	ssyncset.done $0x0  }
0x5b: {  	[sflag:s14] =	ssyncadd.s32 $0xFFFFEC00  }
0x5c: {  	[tilespmem:s17], [sflag:$0x1] =	stream.indirect.gather [hbm4b:s4+s16], $0x80, s28, s16, $0xb8;
	[tilespmem:$0x1E800] =	vst v63  }
0x5d: {  	_ = 	snop  }
0x5e: {  	[tilespmem:s19], [sflag:$0x2] =	stream.indirect.gather [hbm4b:s4+s16], $0x80, s18, s16, $0xb8;
	[tilespmem:$0x1E800] =	vst v63  }
0x5f: {  	_ =	swait.ge [sflag:s20], $0x3E80  }
0x60: {  	[sflag:s20] =	ssyncset.done $0x0  }
0x61: {  	s28 =	simm.s32 $0x1400;
	[sflag:s20] =	ssyncadd.s32 $0xFFFFC180  }
0x62: {  	[spmem:s1] =	stream.indirect.scatter.add.f32 [tilespmem:s17], [sflag:$0x3], $0x80, s28, s16, $0xb8;
	[tilespmem:$0x1E800] =	vst v63  }
0x63: {  	_ =	swait.ge [sflag:s21], $0x3E80  }
0x64: {  	[sflag:s21] =	ssyncset.done $0x0  }
0x65: {  	s28 =	simm.s32 $0x1480;
	[sflag:s21] =	ssyncadd.s32 $0xFFFFC180  }
0x66: {  	[spmem:s1] =	stream.indirect.scatter.add.f32 [tilespmem:s19], [sflag:$0x4], $0x80, s28, s16, $0xb8;
	[tilespmem:$0x1E800] =	vst v63  }
0x67: {  	_ =	swait.ge [sflag:s22], $0x3E80  }
0x68: {  	[sflag:s22] =	ssyncset.done $0x0  }
0x69: {  	s28 =	simm.s32 $0x100;
	[sflag:s22] =	ssyncadd.s32 $0xFFFFC180  }
0x6a: {  	[tilespmem:s17], [sflag:$0x1] =	stream.indirect.gather [hbm4b:s4+s16], $0x80, s28, s16, $0xb8;
	[tilespmem:$0x1E800] =	vst v63  }
0x6b: {  	_ =	swait.ge [sflag:s23], $0x3E80  }
0x6c: {  	[sflag:s23] =	ssyncset.done $0x0  }
0x6d: {  	s29 =	simm.s32 $0x180;
	s28 =	simm.s32 $0x400;
	[sflag:s23] =	ssyncadd.s32 $0xFFFFC180  }
.LBB2_4:
0x6e: {  	[tilespmem:s19], [sflag:$0x2] =	stream.indirect.gather [hbm4b:s4+s16], $0x80, s29, s16, $0xb8;
	[tilespmem:$0x1E800] =	vst v63  }
0x6f: {  	s29 =	smov.u32 s28  }
0x70: {  	p0 =	sne.s32 s28, $0x4800;
	s28 =	sadd.s32 $0x400, s28;
	_ =	swait.ge [sflag:s20], $0x3E80  }
0x71: {  	s29 =	sshra.s32 s29, $0x2;
	[sflag:s20] =	ssyncset.done $0x0  }
0x72: {  	s30 =	sadd.s32 $0x1400, s29;
	[sflag:s20] =	ssyncadd.s32 $0xFFFFC180  }
0x73: {  	[spmem:s1] =	stream.indirect.scatter.add.f32 [tilespmem:s17], [sflag:$0x3], $0x80, s30, s16, $0xb8;
	[tilespmem:$0x1E800] =	vst v63  }
0x74: {  	_ =	swait.ge [sflag:s21], $0x3E80  }
0x75: {  	[sflag:s21] =	ssyncset.done $0x0  }
0x76: {  	s30 =	sadd.s32 $0x1480, s29;
	[sflag:s21] =	ssyncadd.s32 $0xFFFFC180  }
0x77: {  	[spmem:s1] =	stream.indirect.scatter.add.f32 [tilespmem:s19], [sflag:$0x4], $0x80, s30, s16, $0xb8;
	[tilespmem:$0x1E800] =	vst v63  }
0x78: {  	_ =	swait.ge [sflag:s22], $0x3E80  }
0x79: {  	[sflag:s22] =	ssyncset.done $0x0  }
.Ltmp1:
0x7a: {  	s30 =	sadd.s32 $0x100, s29;
	[sflag:s22] =	ssyncadd.s32 $0xFFFFC180;
	(pc) =	sbr.rel @p0 .LBB2_4-.Ltmp1, $4  }
0x7b: {  	[tilespmem:s17], [sflag:$0x1] =	stream.indirect.gather [hbm4b:s4+s16], $0x80, s30, s16, $0xb8;
	[tilespmem:$0x1E800] =	vst v63  }
0x7c: {  	_ =	swait.ge [sflag:s23], $0x3E80  }
0x7d: {  	[sflag:s23] =	ssyncset.done $0x0  }
0x7e: {  	s29 =	sadd.s32 $0x180, s29;
	[sflag:s23] =	ssyncadd.s32 $0xFFFFC180  }
0x7f: {  	[tilespmem:s19], [sflag:$0x2] =	stream.indirect.gather [hbm4b:s4+s16], $0x80, s29, s16, $0xb8;
	[tilespmem:$0x1E800] =	vst v63  }
0x80: {  	_ =	swait.ge [sflag:s20], $0x3E80  }
0x81: {  	[sflag:s20] =	ssyncset.done $0x0  }
0x82: {  	[sflag:s20] =	ssyncadd.s32 $0xFFFFC180  }
0x83: {  	[spmem:s1] =	stream.indirect.scatter.add.f32 [tilespmem:s17], [sflag:$0x3], $0x80, s24, s16, $0xb8;
	[tilespmem:$0x1E800] =	vst v63  }
0x84: {  	_ =	swait.ge [sflag:s21], $0x3E80  }
0x85: {  	[sflag:s21] =	ssyncset.done $0x0  }
0x86: {  	[sflag:s21] =	ssyncadd.s32 $0xFFFFC180  }
0x87: {  	[spmem:s1] =	stream.indirect.scatter.add.f32 [tilespmem:s19], [sflag:$0x4], $0x80, s25, s16, $0xb8;
	[tilespmem:$0x1E800] =	vst v63  }
0x88: {  	_ =	swait.ge [sflag:s22], $0x3E80  }
0x89: {  	[sflag:s22] =	ssyncset.done $0x0  }
0x8a: {  	[sflag:s22] =	ssyncadd.s32 $0xFFFFC180  }
0x8b: {  	_ =	swait.ge [sflag:s23], $0x3E80  }
0x8c: {  	s26 =	sadd.s32 $0x1, s26;
	[sflag:s23] =	ssyncset.done $0x0  }
0x8d: {  	p0 =	sne.s32 s26, s12;
	[sflag:s23] =	ssyncadd.s32 $0xFFFFC180  }
.Ltmp2:
0x8e: {  	[bflag:$0x0] =	sbarrier.arrive $0xFFFF;
	(pc) =	sbr.rel @p0 .LBB2_1-.Ltmp2, $4  }
0x8f: {  	[hbm:s11], [sflag:s6] =	dma.local [spmem:s13], $0x2800  }
0x90: {  	_ =	swait.ge [sflag:s14], $0x2800  }
0x91: {  	[sflag:s14] =	ssyncset.done $0x0  }
0x92: {  	[sflag:s14] =	ssyncadd.s32 $0xFFFFD800  }
0x93: {  	_ =	sfence.sel $0x180000  }
0x94: {  	[bflag:$0x0] =	sbarrier.arrive $0xFFFF  }
0x95: {  	p0 =	sne.s32 s2, $0x0;
	_ =	strace $0x9000004D  }
0x96: {  	s0 =	sadd.s32 @!p0 $0x100000, s0;
	[bflag:$0x2] =	sbarrier.arrive $0xFFFF  }
0x97: {  	[sflag:s0] =	ssyncadd.tile.s32 @!p0 $0x1;
	_ =	shalt  }
.Lfunc_end2:
_tile_overlayer_lowered:
.L_overlay_start_2:
0x98: {  	(tag) =	ssettag $0x2  }
0x99: {  	s0 =	rddreg [dreg:$0x0];
	s2 =	stileid.u32  }
0x9a: {  	s1 =	rddreg [dreg:$0x1];
	p0 =	sne.s32 s2, $0x0  }
0x9b: {  	s3 =	rddreg [dreg:$0x2];
	[bflag:$0x3] =	sbarrier.arrive $0xFFFF;
	s2 =	simm.s32 @!p0 $0x1C05  }
0x9c: {  	[timem:s3], [sflag:s2] =	dma.local @!p0 [hbm:s0], s1  }
0x9d: {  	s0 =	simm.s32 @!p0 $0x5  }
0x9e: {  	_ =	swait.ge @!p0 [sflag:s0], s1  }
0x9f: {  	s1 =	ssub.s32 @!p0 $0x0, s1;
	[sflag:s0] =	ssyncset.done @!p0 $0x0  }
0xa0: {  	[sflag:s0] =	ssyncadd.s32 @!p0 s1  }
0xa1: {  	[bflag:$0x3] =	sbarrier.arrive $0xFFFF  }
0xa2: {  	_ =	shalt  }

// kernel: kernel.9.cloned.1.call-start
scs
__scs_entry_jumppad:
0x0: {  	(pc) =	sbr.rel $0x88, $3  }
0x1: {  	(tag) =	ssettag $0x0;
	lr =	simm.s32 $0x1  }
0x2: {  	[smem:$0x3F95] =	sst lr;
	_ =	strace $0xD0000000  }
0x3: {  	_ = 	snop  }
0x4: {  	_ = 	snop  }
0x5: {  	_ = 	snop  }
0x6: {  	_ = 	snop  }
0x7: {  	_ = 	snop  }
__scs_overlays_trampoline_lowered:
0x8: {  	[smem:$0x3FA4] =	sst s0  }
0x9: {  	[smem:$0x3FA5] =	sst s1  }
0xa: {  	[smem:$0x3FA6] =	sst s2  }
0xb: {  	[smem:$0x3FA7] =	sst s3  }
0xc: {  	[smem:$0x3FA8] =	sst s4  }
0xd: {  	[smem:$0x3FA9] =	sst s5  }
0xe: {  	[smem:$0x3FAA] =	sst s6  }
0xf: {  	[smem:$0x3FAB] =	sst s7  }
0x10: {  	[smem:$0x3FAC] =	sst s8  }
0x11: {  	[smem:$0x3FAD] =	sst s9;
	s0 =	simm.s32 @!p0 $0x0  }
0x12: {  	s1 =	sld [smem:$0x3F93];
	s0 =	simm.s32 @p0 $0x1  }
0x13: {  	[smem:$0x3FAE] =	sst s0;
	s0 =	simm.s32 @!p1 $0x0  }
0x14: {  	s2 =	sld [smem:$0x3F92];
	s0 =	simm.s32 @p1 $0x1  }
0x15: {  	[smem:$0x3FAF] =	sst s0;
	s0 =	simm.s32 @!p2 $0x0  }
0x16: {  	s3 =	sld [smem:$0x3FDB];
	s0 =	simm.s32 @p2 $0x1  }
0x17: {  	s4 =	simm.s32 $0x1BF5;
	[smem:$0x3FB1] =	sst s0  }
0x18: {  	s0 =	sld [smem:$0x3F94];
	_ =	swait.ge [sflag:s4], $0x0  }
0x19: {  	s7 =	sld [smem:$0x3F95]  }
0x1a: {  	s8 =	sadd.s32 $0xFFFFE003, lr  }
0x1b: {  	s9 =	sadd.s32 $0xFFFFFEF7, lr;
	s5 =	simm.s32 $0xFFFFFFFF;
	p2 =	slt.u32 s8, $0xFFFFF086  }
0x1c: {  	p1 =	slt.u32 s9, $0xF7A;
	s5 =	simm.s32 @!p2 $0x0  }
0x1d: {  	s5 =	simm.s32 @p1 $0x1;
	p0 =	seq.s32 s7, s2  }
0x1e: {  	s7 =	smul.u32 @!p0 $0xF7A, s2;
	p2 =	seq.s32 @!p0 s5, $0x0  }
0x1f: {  	s9 =	smul.u32 $0xF7A, s1;
	s8 =	simm.s32 @!p0 $0x1BF5;
	p2 =	por !p2, p0  }
0x20: {  	[sflag:s8] =	ssyncset.s32 @!p0 $0xFFFFF086;
	s6 =	sadd.s32 @!p0 s3, s7;
	s7 =	simm.s32 @!p0 $0x108  }
0x21: {  	s3 =	sadd.s32 s3, s9;
	s6 =	sadd.s32 @!p0 $0x88, s6;
	s7 =	simm.s32 @p2 $0x1082  }
0x22: {  	[simem:s7], [sflag:s8] =	dma.local @!p0 [hbm:s6], $0xF7A  }
0x23: {  	s9 =	sor.u32 $0xD0000000, s2;
	s6 =	simm.s32 $0x108;
	_ =	swait.ge @!p0 [sflag:s8], $0x0  }
0x24: {  	s3 =	sadd.s32 $0x88, s3;
	s6 =	simm.s32 @!p1 $0x1082;
	[sflag:s4] =	ssyncset.s32 $0xFFFFF086  }
0x25: {  	[simem:s6], [sflag:s4] =	dma.local [hbm:s3], $0xF7A  }
0x26: {  	[smem:$0x3F95] =	sst s1;
	(tag) =	ssettag s2;
	_ =	strace s9  }
0x27: {  	s1 =	sld [smem:$0x3FA5]  }
0x28: {  	s2 =	sld [smem:$0x3FA6]  }
0x29: {  	s4 =	sld [smem:$0x3FA8]  }
0x2a: {  	p0 =	seq.s32 s5, $0x0;
	s5 =	sld [smem:$0x3FA9]  }
0x2b: {  	s6 =	sld [smem:$0x3FAA]  }
0x2c: {  	s7 =	sld [smem:$0x3FAB]  }
0x2d: {  	s3 =	simm.s32 $0x108;
	s8 =	sld [smem:$0x3FAC]  }
0x2e: {  	s3 =	simm.s32 @!p0 $0x1082;
	s9 =	sld [smem:$0x3FAD]  }
0x2f: {  	lr =	sadd.s32 s0, s3;
	s0 =	sld [smem:$0x3FA4]  }
0x30: {  	s3 =	sld [smem:$0x3FA7]  }
0x31: {  	[smem:$0x3FB0] =	sst s10  }
0x32: {  	s10 =	sld [smem:$0x3FAE];
	_ =	sdelay $0x3  }
0x33: {  	p0 =	seq.s32 s10, $0x1;
	s10 =	sld [smem:$0x3FB0];
	_ =	sdelay $0x3  }
0x34: {  	[smem:$0x3FB0] =	sst s10  }
0x35: {  	s10 =	sld [smem:$0x3FAF];
	_ =	sdelay $0x3  }
0x36: {  	p1 =	seq.s32 s10, $0x1;
	s10 =	sld [smem:$0x3FB0];
	_ =	sdelay $0x3  }
0x37: {  	[smem:$0x3FB0] =	sst s10  }
0x38: {  	s10 =	sld [smem:$0x3FB1]  }
0x39: {  	_ = 	snop;
	(pc) =	sbr.ind lr, $3  }
0x3a: {  	_ = 	snop  }
0x3b: {  	_ = 	snop  }
0x3c: {  	p2 =	seq.s32 s10, $0x1;
	s10 =	sld [smem:$0x3FB0]  }
0x3d: {  	_ =	shalt  }
0x3e: {  	_ =	shalt  }
0x3f: {  	_ =	shalt  }
0x40: {  	_ =	shalt  }
0x41: {  	_ =	shalt  }
0x42: {  	_ =	shalt  }
0x43: {  	_ =	shalt  }
0x44: {  	_ =	shalt  }
0x45: {  	_ =	shalt  }
0x46: {  	_ =	shalt  }
0x47: {  	_ =	shalt  }
0x48: {  	_ =	shalt  }
0x49: {  	_ =	shalt  }
0x4a: {  	_ =	shalt  }
0x4b: {  	_ =	shalt  }
0x4c: {  	_ =	shalt  }
0x4d: {  	_ =	shalt  }
0x4e: {  	_ =	shalt  }
0x4f: {  	_ =	shalt  }
0x50: {  	_ =	shalt  }
0x51: {  	_ =	shalt  }
0x52: {  	_ =	shalt  }
0x53: {  	_ =	shalt  }
0x54: {  	_ =	shalt  }
0x55: {  	_ =	shalt  }
0x56: {  	_ =	shalt  }
0x57: {  	_ =	shalt  }
0x58: {  	_ =	shalt  }
0x59: {  	_ =	shalt  }
0x5a: {  	_ =	shalt  }
0x5b: {  	_ =	shalt  }
0x5c: {  	_ =	shalt  }
0x5d: {  	_ =	shalt  }
0x5e: {  	_ =	shalt  }
0x5f: {  	_ =	shalt  }
0x60: {  	_ =	shalt  }
0x61: {  	_ =	shalt  }
0x62: {  	_ =	shalt  }
0x63: {  	_ =	shalt  }
0x64: {  	_ =	shalt  }
0x65: {  	_ =	shalt  }
0x66: {  	_ =	shalt  }
0x67: {  	_ =	shalt  }
0x68: {  	_ =	shalt  }
0x69: {  	_ =	shalt  }
0x6a: {  	_ =	shalt  }
0x6b: {  	_ =	shalt  }
0x6c: {  	_ =	shalt  }
0x6d: {  	_ =	shalt  }
0x6e: {  	_ =	shalt  }
0x6f: {  	_ =	shalt  }
0x70: {  	_ =	shalt  }
0x71: {  	_ =	shalt  }
0x72: {  	_ =	shalt  }
0x73: {  	_ =	shalt  }
0x74: {  	_ =	shalt  }
0x75: {  	_ =	shalt  }
0x76: {  	_ =	shalt  }
0x77: {  	_ =	shalt  }
0x78: {  	_ =	shalt  }
0x79: {  	_ =	shalt  }
0x7a: {  	_ =	shalt  }
0x7b: {  	_ =	shalt  }
0x7c: {  	_ =	shalt  }
0x7d: {  	_ =	shalt  }
0x7e: {  	_ =	shalt  }
0x7f: {  	_ =	shalt  }
0x80: {  	_ =	shalt  }
0x81: {  	_ =	shalt  }
0x82: {  	_ =	shalt  }
0x83: {  	_ =	shalt  }
0x84: {  	_ =	shalt  }
0x85: {  	_ =	shalt  }
0x86: {  	_ =	shalt  }
0x87: {  	_ =	shalt  }
.Lfunc_end0:
.L_simem_size_0:
called_computation_lowered:
.L_overlay_start_0:
0x88: {  	s2 =	sld [smem:$0x3FD9]  }
0x89: {  	s3 =	sld [smem:$0x3FFE];
	_ =	sdelay $0x1  }
0x8a: {  	s1 =	srdreg.scid  }
0x8b: {  	s0 =	sand.u32 $0x1, s1  }
0x8c: {  	s16 =	sshll.u32 s0, $0xA;
	s2 =	sadd.s32 s3, s2  }
0x8d: {  	s2 =	sadd.s32 s2, s16  }
0x8e: {  	[smem:$0x3FBC] =	sst s2  }
0x8f: {  	_ = 	snop  }
0x90: {  	(tm) =	ssettm $0x1  }
0x91: {  	s17 =	sld [smem:$0x3FFB];
	_ =	sdelay $0x3  }
0x92: {  	_ =	strace s17  }
0x93: {  	s2 =	sld [smem:$0x3FFC];
	_ =	sdelay $0x3  }
0x94: {  	_ =	strace s2  }
0x95: {  	s2 =	sld [smem:$0x3FFD];
	_ =	sdelay $0x3  }
0x96: {  	_ =	strace s2  }
0x97: {  	_ =	strace $0x8FFFFFFF  }
0x98: {  	s18 =	sld [smem:$0x3FDB];
	_ =	sdelay $0x1  }
0x99: {  	s19 =	simm.s32 $_scs_section_size  }
0x9a: {  	s4 =	simm.s32 $_size__tile_overlayer_lowered;
	s5 =	simm.s32 $_tile_overlayer_lowered  }
0x9b: {  	s22 =	simm.s32 $0x1BFF;
	s21 =	sshll.u32 s5, $0x1;
	s2 =	sadd.s32 s19, s18  }
0x9c: {  	s6 =	simm.s32 $0x0;
	s20 =	sshll.u32 s4, $0x1;
	s4 =	sadd.s32 s21, s2  }
0x9d: {  	[timem:s6], [sflag:s22] =	dma.local [hbm:s4], s20  }
0x9e: {  	_ =	swait.ge [sflag:s22], s20  }
0x9f: {  	s3 =	ssub.s32 $0x0, s20;
	[sflag:s22] =	ssyncset.done $0x0  }
0xa0: {  	[sflag:s22] =	ssyncadd.s32 s3;
	_ =	sdelay $0x1  }
0xa1: {  	s23 =	simm.s32 $0x1B8B  }
0xa2: {  	_ =	swait.ge [sflag:s23], $0x1  }
0xa3: {  	[sflag:s23] =	ssyncset.done $0x0  }
0xa4: {  	s25 =	simm.s32 $0x1B8E;
	s24 =	sld [smem:$0x3FFE];
	[sflag:s23] =	ssyncadd.s32 $0xFFFFFFFF  }
0xa5: {  	s26 =	simm.s32 $execute0_lowered;
	[smem:$0x3FD2] =	sst s25  }
0xa6: {  	s4 =	sshll.u32 s26, $0x1;
	_ =	strace $0x80000046;
	[dreg:$0x1] =	wrdreg $0xFFFFFFFF  }
0xa7: {  	s28 =	simm.s32 $_size_execute0_lowered;
	s2 =	sadd.s32 s2, s4;
	[dreg:$0x0] =	wrdreg $0x0  }
0xa8: {  	s4 =	sshll.u32 s28, $0x1;
	[dreg:$0x2] =	wrdreg s2  }
0xa9: {  	[dreg:$0x3] =	wrdreg s4  }
0xaa: {  	[dreg:$0x4] =	wrdreg $0xC0  }
0xab: {  	_ =	task [dreg:s6], $0x5FFFF  }
0xac: {  	[dreg:$0x1] =	wrdreg $0xFFFFFFFF  }
0xad: {  	[dreg:$0x0] =	wrdreg $0x60  }
0xae: {  	[dreg:$0x2] =	wrdreg s24  }
0xaf: {  	[dreg:$0x3] =	wrdreg $0x54000  }
0xb0: {  	[dreg:$0x4] =	wrdreg $0x9  }
0xb1: {  	_ =	task.clear_ibuf [dreg:s6], $0x5FFFF;
	_ =	strace $0x90000046  }
0xb2: {  	s29 =	simm.s32 $0x9;
	_ =	strace $0x80000048  }
0xb3: {  	_ =	swait.ge [sflag:s29], $0x1  }
0xb4: {  	[sflag:s29] =	ssyncadd.s32 $0xFFFFFFFF  }
0xb5: {  	_ =	strace $0x90000048  }
0xb6: {  	_ =	sfence  }
0xb7: {  	s30 =	sld [smem:$0x0];
	_ =	sdelay $0x2  }
0xb8: {  	s31 =	sshll.u32 s1, $0xD;
	s1 =	sshrl.u32 s1, $0x2  }
0xb9: {  	s3 =	sand.u32 $0x4000, s31;
	s1 =	sadd.s32 s1, s30  }
0xba: {  	s0 =	sor.u32 s3, s0;
	s1 =	sshll.u32 s1, $0x11  }
0xbb: {  	s0 =	sor.u32 s1, s0  }
0xbc: {  	s0 =	sadd.s32 $0x8F2B, s0  }
0xbd: {  	[sflag:s0] =	ssyncadd.remote.s32 $0x1  }
0xbe: {  	_ =	sfence.sel $0xFFFF  }
0xbf: {  	[dreg:$0x0] =	wrdreg $0xFFFFFFFF;
	(pc) =	sbr.abs _section_cstart, $3  }
0xc0: {  	[dreg:$0x1] =	wrdreg $0xFFFFFFFF  }
0xc1: {  	_ =	task.clear_ibuf [dreg:s6], $0x2FFFF;
	_ =	strace $0x9FFFFFFF  }
0xc2: {  	(tm) =	ssettm $0x7FFFFFFF  }
0xc3: {  	_ =	shalt  }
tec
execute0_lowered:
.L_overlay_start_1:
0x0: {  	(tag) =	ssettag $0x1  }
0x1: {  	s0 =	srdreg.scid;
	s5 =	rddreg [dreg:$0x0]  }
0x2: {  	s9 =	stileid.u32;
	s2 =	rddreg [dreg:$0x1]  }
0x3: {  	s3 =	simm.s32 $0x0;
	s11 =	simm.s32 $0x2;
	s12 =	simm.s32 $0x1400  }
0x4: {  	s13 =	simm.s32 $0x7D;
	s18 =	simm.s32 $0xC00;
	s19 =	simm.s32 $0xC80  }
0x5: {  	s20 =	simm.s32 $0xD00;
	s21 =	simm.s32 $0xD80;
	s22 =	simm.s32 $0xE00  }
0x6: {  	s23 =	simm.s32 $0xE80;
	s28 =	simm.s32 $0x1080;
	s29 =	simm.s32 $0x1100  }
0x7: {  	s30 =	simm.s32 $0x1180;
	s31 =	simm.s32 $0x1200;
	s14 =	simm.s32 $0x1380  }
0x8: {  	s15 =	simm.s32 $0x1;
	s16 =	simm.s32 $0x0;
	s6 =	smul.u32 $0x280, s9  }
0x9: {  	s0 =	sand.u32 $0x1, s0;
	[smem:$0x7FF] =	sst s3;
	s7 =	smul.u32 $0x50000, s9  }
0xa: {  	s26 =	sshll.u32 s9, $0x6;
	s1 =	sshll.u32 s0, $0x4;
	s4 =	smul.u32 $0x2800, s0  }
0xb: {  	_ =	strace $0x80000047;
	s0 =	ssub.s32 $0x2, s0;
	s1 =	sor.u32 s9, s1  }
0xc: {  	s24 =	sshrl.u32 s0, $0x1;
	s25 =	sshrl.u32 s7, $0x2;
	s1 =	smul.u32 $0x280, s1  }
0xd: {  	s4 =	sadd.s32 s6, s4;
	s0 =	ssub.s32 s0, s24;
	s10 =	sadd.s32 s25, s2  }
0xe: {  	s24 =	simm.s32 $0xF00;
	s25 =	simm.s32 $0xF80;
	s6 =	sshll.u32 s4, $0x4  }
0xf: {  	s4 =	sadd.s32 $0x7200, s5;
	s9 =	smax.u32 s0, $0x1;
	s10 =	sshrl.u32 s10, $0x3  }
0x10: {  	s0 =	simm.s32 $0x1300;
	s1 =	sadd.s32 s1, s5;
	s8 =	sadd.s32 s6, s5  }
0x11: {  	s5 =	sadd.s32 s4, s6;
	s6 =	sor.u32 $0x1C02, s26;
	s26 =	simm.s32 $0x1000  }
0x12: {  	s7 =	sadd.s32 $0x2200, s1;
	s8 =	sadd.s32 $0x57200, s8;
	s1 =	simm.s32 $0x1280  }
.LBB2_1:
0x13: {  	[spmem:s10], [sflag:s6] =	dma.local [hbm:s5], $0x2800  }
0x14: {  	_ =	swait.ge [sflag:s11], $0x2800  }
0x15: {  	[sflag:s11] =	ssyncset.done $0x0  }
0x16: {  	[sflag:s11] =	ssyncadd.s32 $0xFFFFD800  }
0x17: {  	[tilespmem:s3], [sflag:$0x2] =	stream.linear.gather [hbm4b:s7+s3], $0x1400, $0x38;
	[tilespmem:$0x19400] =	vst v63  }
0x18: {  	_ =	swait.ge [sflag:s11], $0x1400  }
0x19: {  	[sflag:s11] =	ssyncset.done $0x0  }
0x1a: {  	[sflag:s11] =	ssyncadd.s32 $0xFFFFEC00  }
0x1b: {  	[tilespmem:s12], [sflag:$0x2] =	stream.linear.gather [hbm4b:s4+s3], $0x4000, $0x38;
	[tilespmem:$0x19400] =	vst v63  }
0x1c: {  	_ =	swait.ge [sflag:s11], $0x4000  }
0x1d: {  	[sflag:s11] =	ssyncset.done $0x0  }
0x1e: {  	[sflag:s11] =	ssyncadd.s32 $0xFFFFC000  }
0x1f: {  	[bflag:$0x0] =	sbarrier.arrive $0xFFFF  }
0x20: {  	[spmem:s2] =	stream.indirect.scatter.add.f32 [tilespmem:s12], [sflag:$0x1], $0x80, s3, s13, $0xb8;
	[tilespmem:$0x19400] =	vst v63  }
0x21: {  	s17 =	simm.s32 $0x80  }
0x22: {  	[spmem:s2] =	stream.indirect.scatter.add.f32 [tilespmem:s12], [sflag:$0x1], $0x80, s17, s13, $0xb8;
	[tilespmem:$0x19400] =	vst v63  }
0x23: {  	s17 =	simm.s32 $0x100  }
0x24: {  	[spmem:s2] =	stream.indirect.scatter.add.f32 [tilespmem:s12], [sflag:$0x1], $0x80, s17, s13, $0xb8;
	[tilespmem:$0x19400] =	vst v63  }
0x25: {  	s17 =	simm.s32 $0x180  }
0x26: {  	[spmem:s2] =	stream.indirect.scatter.add.f32 [tilespmem:s12], [sflag:$0x1], $0x80, s17, s13, $0xb8;
	[tilespmem:$0x19400] =	vst v63  }
0x27: {  	s17 =	simm.s32 $0x200  }
0x28: {  	[spmem:s2] =	stream.indirect.scatter.add.f32 [tilespmem:s12], [sflag:$0x1], $0x80, s17, s13, $0xb8;
	[tilespmem:$0x19400] =	vst v63  }
0x29: {  	s17 =	simm.s32 $0x280  }
0x2a: {  	[spmem:s2] =	stream.indirect.scatter.add.f32 [tilespmem:s12], [sflag:$0x1], $0x80, s17, s13, $0xb8;
	[tilespmem:$0x19400] =	vst v63  }
0x2b: {  	s17 =	simm.s32 $0x300  }
0x2c: {  	[spmem:s2] =	stream.indirect.scatter.add.f32 [tilespmem:s12], [sflag:$0x1], $0x80, s17, s13, $0xb8;
	[tilespmem:$0x19400] =	vst v63  }
0x2d: {  	s17 =	simm.s32 $0x380  }
0x2e: {  	[spmem:s2] =	stream.indirect.scatter.add.f32 [tilespmem:s12], [sflag:$0x1], $0x80, s17, s13, $0xb8;
	[tilespmem:$0x19400] =	vst v63  }
0x2f: {  	s17 =	simm.s32 $0x400  }
0x30: {  	[spmem:s2] =	stream.indirect.scatter.add.f32 [tilespmem:s12], [sflag:$0x1], $0x80, s17, s13, $0xb8;
	[tilespmem:$0x19400] =	vst v63  }
0x31: {  	s17 =	simm.s32 $0x480  }
0x32: {  	[spmem:s2] =	stream.indirect.scatter.add.f32 [tilespmem:s12], [sflag:$0x1], $0x80, s17, s13, $0xb8;
	[tilespmem:$0x19400] =	vst v63  }
0x33: {  	s17 =	simm.s32 $0x500  }
0x34: {  	[spmem:s2] =	stream.indirect.scatter.add.f32 [tilespmem:s12], [sflag:$0x1], $0x80, s17, s13, $0xb8;
	[tilespmem:$0x19400] =	vst v63  }
0x35: {  	s17 =	simm.s32 $0x580  }
0x36: {  	[spmem:s2] =	stream.indirect.scatter.add.f32 [tilespmem:s12], [sflag:$0x1], $0x80, s17, s13, $0xb8;
	[tilespmem:$0x19400] =	vst v63  }
0x37: {  	s17 =	simm.s32 $0x600  }
0x38: {  	[spmem:s2] =	stream.indirect.scatter.add.f32 [tilespmem:s12], [sflag:$0x1], $0x80, s17, s13, $0xb8;
	[tilespmem:$0x19400] =	vst v63  }
0x39: {  	s17 =	simm.s32 $0x680  }
0x3a: {  	[spmem:s2] =	stream.indirect.scatter.add.f32 [tilespmem:s12], [sflag:$0x1], $0x80, s17, s13, $0xb8;
	[tilespmem:$0x19400] =	vst v63  }
0x3b: {  	s17 =	simm.s32 $0x700  }
0x3c: {  	[spmem:s2] =	stream.indirect.scatter.add.f32 [tilespmem:s12], [sflag:$0x1], $0x80, s17, s13, $0xb8;
	[tilespmem:$0x19400] =	vst v63  }
0x3d: {  	s17 =	simm.s32 $0x780  }
0x3e: {  	[spmem:s2] =	stream.indirect.scatter.add.f32 [tilespmem:s12], [sflag:$0x1], $0x80, s17, s13, $0xb8;
	[tilespmem:$0x19400] =	vst v63  }
0x3f: {  	s17 =	simm.s32 $0x800  }
0x40: {  	[spmem:s2] =	stream.indirect.scatter.add.f32 [tilespmem:s12], [sflag:$0x1], $0x80, s17, s13, $0xb8;
	[tilespmem:$0x19400] =	vst v63  }
0x41: {  	s17 =	simm.s32 $0x880  }
0x42: {  	[spmem:s2] =	stream.indirect.scatter.add.f32 [tilespmem:s12], [sflag:$0x1], $0x80, s17, s13, $0xb8;
	[tilespmem:$0x19400] =	vst v63  }
0x43: {  	s17 =	simm.s32 $0x900  }
0x44: {  	[spmem:s2] =	stream.indirect.scatter.add.f32 [tilespmem:s12], [sflag:$0x1], $0x80, s17, s13, $0xb8;
	[tilespmem:$0x19400] =	vst v63  }
0x45: {  	s17 =	simm.s32 $0x980  }
0x46: {  	[spmem:s2] =	stream.indirect.scatter.add.f32 [tilespmem:s12], [sflag:$0x1], $0x80, s17, s13, $0xb8;
	[tilespmem:$0x19400] =	vst v63  }
0x47: {  	s17 =	simm.s32 $0xA00  }
0x48: {  	[spmem:s2] =	stream.indirect.scatter.add.f32 [tilespmem:s12], [sflag:$0x1], $0x80, s17, s13, $0xb8;
	[tilespmem:$0x19400] =	vst v63  }
0x49: {  	s17 =	simm.s32 $0xA80  }
0x4a: {  	[spmem:s2] =	stream.indirect.scatter.add.f32 [tilespmem:s12], [sflag:$0x1], $0x80, s17, s13, $0xb8;
	[tilespmem:$0x19400] =	vst v63  }
0x4b: {  	s17 =	simm.s32 $0xB00  }
0x4c: {  	[spmem:s2] =	stream.indirect.scatter.add.f32 [tilespmem:s12], [sflag:$0x1], $0x80, s17, s13, $0xb8;
	[tilespmem:$0x19400] =	vst v63  }
0x4d: {  	s17 =	simm.s32 $0xB80  }
0x4e: {  	[spmem:s2] =	stream.indirect.scatter.add.f32 [tilespmem:s12], [sflag:$0x1], $0x80, s17, s13, $0xb8;
	[tilespmem:$0x19400] =	vst v63  }
0x4f: {  	_ = 	snop  }
0x50: {  	[spmem:s2] =	stream.indirect.scatter.add.f32 [tilespmem:s12], [sflag:$0x1], $0x80, s18, s13, $0xb8;
	[tilespmem:$0x19400] =	vst v63  }
0x51: {  	_ = 	snop  }
0x52: {  	[spmem:s2] =	stream.indirect.scatter.add.f32 [tilespmem:s12], [sflag:$0x1], $0x80, s19, s13, $0xb8;
	[tilespmem:$0x19400] =	vst v63  }
0x53: {  	_ = 	snop  }
0x54: {  	[spmem:s2] =	stream.indirect.scatter.add.f32 [tilespmem:s12], [sflag:$0x1], $0x80, s20, s13, $0xb8;
	[tilespmem:$0x19400] =	vst v63  }
0x55: {  	_ = 	snop  }
0x56: {  	[spmem:s2] =	stream.indirect.scatter.add.f32 [tilespmem:s12], [sflag:$0x1], $0x80, s21, s13, $0xb8;
	[tilespmem:$0x19400] =	vst v63  }
0x57: {  	_ = 	snop  }
0x58: {  	[spmem:s2] =	stream.indirect.scatter.add.f32 [tilespmem:s12], [sflag:$0x1], $0x80, s22, s13, $0xb8;
	[tilespmem:$0x19400] =	vst v63  }
0x59: {  	_ = 	snop  }
0x5a: {  	[spmem:s2] =	stream.indirect.scatter.add.f32 [tilespmem:s12], [sflag:$0x1], $0x80, s23, s13, $0xb8;
	[tilespmem:$0x19400] =	vst v63  }
0x5b: {  	_ = 	snop  }
0x5c: {  	[spmem:s2] =	stream.indirect.scatter.add.f32 [tilespmem:s12], [sflag:$0x1], $0x80, s24, s13, $0xb8;
	[tilespmem:$0x19400] =	vst v63  }
0x5d: {  	_ = 	snop  }
0x5e: {  	[spmem:s2] =	stream.indirect.scatter.add.f32 [tilespmem:s12], [sflag:$0x1], $0x80, s25, s13, $0xb8;
	[tilespmem:$0x19400] =	vst v63  }
0x5f: {  	_ = 	snop  }
0x60: {  	[spmem:s2] =	stream.indirect.scatter.add.f32 [tilespmem:s12], [sflag:$0x1], $0x80, s26, s13, $0xb8;
	[tilespmem:$0x19400] =	vst v63  }
0x61: {  	_ = 	snop  }
0x62: {  	[spmem:s2] =	stream.indirect.scatter.add.f32 [tilespmem:s12], [sflag:$0x1], $0x80, s28, s13, $0xb8;
	[tilespmem:$0x19400] =	vst v63  }
0x63: {  	_ = 	snop  }
0x64: {  	[spmem:s2] =	stream.indirect.scatter.add.f32 [tilespmem:s12], [sflag:$0x1], $0x80, s29, s13, $0xb8;
	[tilespmem:$0x19400] =	vst v63  }
0x65: {  	_ = 	snop  }
0x66: {  	[spmem:s2] =	stream.indirect.scatter.add.f32 [tilespmem:s12], [sflag:$0x1], $0x80, s30, s13, $0xb8;
	[tilespmem:$0x19400] =	vst v63  }
0x67: {  	_ = 	snop  }
0x68: {  	[spmem:s2] =	stream.indirect.scatter.add.f32 [tilespmem:s12], [sflag:$0x1], $0x80, s31, s13, $0xb8;
	[tilespmem:$0x19400] =	vst v63  }
0x69: {  	_ = 	snop  }
0x6a: {  	[spmem:s2] =	stream.indirect.scatter.add.f32 [tilespmem:s12], [sflag:$0x1], $0x80, s1, s13, $0xb8;
	[tilespmem:$0x19400] =	vst v63  }
0x6b: {  	_ = 	snop  }
0x6c: {  	[spmem:s2] =	stream.indirect.scatter.add.f32 [tilespmem:s12], [sflag:$0x1], $0x80, s0, s13, $0xb8;
	[tilespmem:$0x19400] =	vst v63  }
0x6d: {  	_ = 	snop  }
0x6e: {  	[spmem:s2] =	stream.indirect.scatter.add.f32 [tilespmem:s12], [sflag:$0x1], $0x80, s14, s13, $0xb8;
	[tilespmem:$0x19400] =	vst v63  }
0x6f: {  	_ =	swait.ge [sflag:s15], $0x3E80  }
0x70: {  	s17 =	simm.s32 $0x27;
	[sflag:s15] =	ssyncset.done $0x0  }
.LBB2_2:
0x71: {  	p0 =	sne.s32 s17, $0x1;
	s17 =	sadd.s32 $0xFFFFFFFF, s17;
	[sflag:s15] =	ssyncadd.s32 $0xFFFFC180  }
.Ltmp0:
0x72: {  	(pc) =	sbr.rel @p0 .LBB2_2-.Ltmp0, $3  }
0x73: {  	_ =	sdelay $0x1  }
0x74: {  	_ =	swait.ge [sflag:s15], $0x3E80  }
0x75: {  	[sflag:s15] =	ssyncset.done $0x0  }
0x76: {  	s16 =	sadd.s32 $0x1, s16  }
0x77: {  	[sflag:s15] =	ssyncadd.s32 $0xFFFFC180;
	p0 =	sne.s32 s16, s9  }
.Ltmp1:
0x78: {  	[bflag:$0x0] =	sbarrier.arrive $0xFFFF;
	(pc) =	sbr.rel @p0 .LBB2_1-.Ltmp1, $4  }
0x79: {  	[hbm:s8], [sflag:s6] =	dma.local [spmem:s10], $0x2800  }
0x7a: {  	_ =	swait.ge [sflag:s11], $0x2800  }
0x7b: {  	[sflag:s11] =	ssyncset.done $0x0  }
0x7c: {  	[sflag:s11] =	ssyncadd.s32 $0xFFFFD800  }
0x7d: {  	_ =	sfence.sel $0x180000  }
0x7e: {  	[bflag:$0x0] =	sbarrier.arrive $0xFFFF  }
0x7f: {  	_ =	strace $0x90000047  }
0x80: {  	s0 =	stileid.u32;
	[bflag:$0x2] =	sbarrier.arrive $0xFFFF  }
0x81: {  	p0 =	sne.s32 s0, $0x0;
	s0 =	rddreg [dreg:$0x2]  }
0x82: {  	s0 =	sadd.s32 @!p0 $0x100000, s0  }
0x83: {  	[sflag:s0] =	ssyncadd.tile.s32 @!p0 $0x1;
	_ =	shalt  }
.Lfunc_end2:
_tile_overlayer_lowered:
.L_overlay_start_2:
0x84: {  	(tag) =	ssettag $0x2  }
0x85: {  	s0 =	rddreg [dreg:$0x0];
	s2 =	stileid.u32  }
0x86: {  	s1 =	rddreg [dreg:$0x1];
	p0 =	sne.s32 s2, $0x0  }
0x87: {  	s3 =	rddreg [dreg:$0x2];
	[bflag:$0x3] =	sbarrier.arrive $0xFFFF;
	s2 =	simm.s32 @!p0 $0x1C02  }
0x88: {  	[timem:s3], [sflag:s2] =	dma.local @!p0 [hbm:s0], s1  }
0x89: {  	s0 =	simm.s32 @!p0 $0x2  }
0x8a: {  	_ =	swait.ge @!p0 [sflag:s0], s1  }
0x8b: {  	s1 =	ssub.s32 @!p0 $0x0, s1;
	[sflag:s0] =	ssyncset.done @!p0 $0x0  }
0x8c: {  	[sflag:s0] =	ssyncadd.s32 @!p0 s1  }
0x8d: {  	[bflag:$0x3] =	sbarrier.arrive $0xFFFF  }
0x8e: {  	_ =	shalt  }

</sc_bundles>
